<compile_context>
chip_gen: v7x
topology: tpu7x:2x2x1
jax: 0.10.2.dev20260603
libtpu: 0.0.44.dev20260713+nightly
codegen_flags: <defaults>
</compile_context>

<pallas_src>
import functools

import jax
import jax.numpy as jnp
from jax import lax
from jax.experimental import pallas as pl
from jax.experimental.pallas import tpu as pltpu
from jax.experimental.pallas import tpu_sc as plsc

_B, _N, _W, _D = 128, 1000, 64, 64
_K = 20
_BN = _B * _N
_E = _B * _N * _K
_NEG = 0.2

_NC, _NS = 2, 16
_NWORK = _NC * _NS
_CH = 128
_NCHUNK = _E // _CH // _NWORK
_XW = 2 * _D


def _topk_body(emb_ref, embT_ref, idx_o, cos_v):
    em = emb_ref[...]
    emT = embT_ref[...]
    nc = jnp.sqrt(jnp.sum(em * em, axis=-1, keepdims=True))
    nr = jnp.sqrt(jnp.sum(emT * emT, axis=0, keepdims=True))
    cos = jnp.dot(em, emT, preferred_element_type=jnp.float32)
    cos_v[...] = cos / (nc * nr)
    lane = lax.broadcasted_iota(jnp.int32, (_N, _N), 1)
    cols = []
    for _ in range(_K):
        c = cos_v[...]
        mx = jnp.max(c, axis=1, keepdims=True)
        idx = jnp.min(jnp.where(c == mx, lane, _N), axis=1, keepdims=True)
        cols.append(idx)
        cos_v[...] = jnp.where(lane == idx, -3.4e38, c)
    idx_o[...] = jnp.concatenate(cols, axis=1)


def _topk(emb, embT):
    return pl.pallas_call(
        _topk_body,
        out_shape=jax.ShapeDtypeStruct((_N, _K), jnp.int32),
        scratch_shapes=[pltpu.VMEM((_N, _N), jnp.float32)],
    )(emb, embT)


def _xlin_body(d_ref, w_ref, e_ref, xl_ref, xe_ref):
    xl = jnp.dot(d_ref[0], w_ref[...], preferred_element_type=jnp.float32)
    xl_ref[0] = xl
    xe_ref[0] = jnp.concatenate([xl, e_ref[...]], axis=-1)


def _xlin(data3, lin_W, emb):
    return pl.pallas_call(
        _xlin_body,
        grid=(_B,),
        in_specs=[pl.BlockSpec((1, _N, _W), lambda b: (b, 0, 0)),
                  pl.BlockSpec((_W, _D), lambda b: (0, 0)),
                  pl.BlockSpec((_N, _D), lambda b: (0, 0))],
        out_specs=[pl.BlockSpec((1, _N, _D), lambda b: (b, 0, 0)),
                   pl.BlockSpec((1, _N, _XW), lambda b: (b, 0, 0))],
        out_shape=[jax.ShapeDtypeStruct((_B, _N, _D), jnp.float32),
                   jax.ShapeDtypeStruct((_B, _N, _XW), jnp.float32)],
    )(data3, lin_W, emb)


_G3 = 3
_GR = _G3 * _CH
_NGRP = _NCHUNK // _G3


def _sc_gather_body(xe, srcg2, xrow_o,
                    idx_a, idx_b, rows_a, rows_b, gs_a, gs_b, ws_a, ws_b):
    wid = lax.axis_index("s") * _NC + lax.axis_index("c")
    cbase = wid * _NCHUNK

    def do_group(g, idx_v, rows_v, gsem, wsem, first):
        crow = cbase + g * _G3
        for j in range(_G3):
            pltpu.async_copy(srcg2.at[crow + j], idx_v.at[j], gsem)
        pltpu.make_async_copy(srcg2.at[pl.ds(0, _G3)], idx_v, gsem).wait()

        @pl.when(jnp.logical_not(first))
        def _():
            pltpu.make_async_copy(xrow_o.at[pl.ds(0, _GR)], rows_v, wsem).wait()

        for j in range(_G3):
            pltpu.async_copy(xe.at[idx_v.at[j]],
                             rows_v.at[pl.ds(j * _CH, _CH)], gsem)
        pltpu.make_async_copy(xrow_o.at[pl.ds(0, _GR)], rows_v, gsem).wait()
        pltpu.async_copy(rows_v, xrow_o.at[pl.ds(crow * _CH, _GR)], wsem)

    def dbl(gg, carry):
        do_group(gg * 2, idx_a, rows_a, gs_a, ws_a, gg == 0)
        do_group(gg * 2 + 1, idx_b, rows_b, gs_b, ws_b, gg == 0)
        return carry

    lax.fori_loop(0, _NGRP // 2, dbl, 0)

    crow = cbase + _NGRP * _G3
    pltpu.sync_copy(srcg2.at[crow], idx_a.at[0])
    pltpu.make_async_copy(xrow_o.at[pl.ds(0, _GR)], rows_a, ws_a).wait()
    pltpu.async_copy(xe.at[idx_a.at[0]], rows_a.at[pl.ds(0, _CH)], gs_a)
    pltpu.make_async_copy(xrow_o.at[pl.ds(0, _CH)],
                          rows_a.at[pl.ds(0, _CH)], gs_a).wait()
    pltpu.sync_copy(rows_a.at[pl.ds(0, _CH)],
                    xrow_o.at[pl.ds(crow * _CH, _CH)])
    pltpu.make_async_copy(xrow_o.at[pl.ds(0, _GR)], rows_b, ws_b).wait()


def _sc_gather(xe_flat, srcg2):
    kern = functools.partial(
        pl.kernel,
        out_type=jax.ShapeDtypeStruct((_E, _XW), jnp.float32),
        mesh=plsc.VectorSubcoreMesh(core_axis_name="c", subcore_axis_name="s"),
        scratch_types=[pltpu.VMEM((_G3, _CH), jnp.int32),
                       pltpu.VMEM((_G3, _CH), jnp.int32),
                       pltpu.VMEM((_GR, _XW), jnp.float32),
                       pltpu.VMEM((_GR, _XW), jnp.float32),
                       pltpu.SemaphoreType.DMA,
                       pltpu.SemaphoreType.DMA,
                       pltpu.SemaphoreType.DMA,
                       pltpu.SemaphoreType.DMA],
    )(_sc_gather_body)
    return kern(xe_flat, srcg2)


def _att_body(xrow, xlin, emb, mask, ai, catj, aj, aei, aej, gb,
              att_o, atts_o, agg_o, s_o, ss_o):
    xr = xrow[0]
    xl = xlin[0]
    em = emb[...]
    m = mask[...]

    ci = jnp.sum(em * aei[...], axis=-1, keepdims=True)
    cj_self = jnp.sum(em * aej[...], axis=-1, keepdims=True)
    si = jnp.sum(xl * ai[...], axis=-1, keepdims=True) + ci
    sj_self = jnp.sum(xl * aj[...], axis=-1, keepdims=True) + cj_self
    sjg = jnp.sum(xr * catj[...][None], axis=-1)

    alpha = si + sjg
    alpha = jnp.where(alpha >= 0, alpha, _NEG * alpha)
    aself = si + sj_self
    aself = jnp.where(aself >= 0, aself, _NEG * aself)

    alpha_m = jnp.where(m > 0, -1e9, alpha)
    mx = jnp.maximum(jnp.max(alpha_m, axis=-1, keepdims=True), aself)
    ex = jnp.where(m > 0, 0.0, jnp.exp(alpha_m - mx))
    exs = jnp.exp(aself - mx)
    denom = jnp.sum(ex, axis=-1, keepdims=True) + exs
    att = ex / denom
    atts = exs / denom

    agg_f = jnp.sum(xr * att[:, :, None], axis=1)
    agg = agg_f[:, :_D] + atts * xl + gb[...]

    att_o[0] = att
    atts_o[0] = atts
    agg_o[0] = agg

    @pl.when(pl.program_id(0) == 0)
    def _():
        s_o[...] = jnp.zeros_like(s_o)
        ss_o[...] = jnp.zeros_like(ss_o)

    s_o[...] += jnp.sum(agg.reshape(_N // 8, 8, _D), axis=0)
    ss_o[...] += jnp.sum((agg * agg).reshape(_N // 8, 8, _D), axis=0)


def _attention(xrow4, xlin3, emb, maskf, ai, catj, aj, aei, aej, gb):
    return pl.pallas_call(
        _att_body,
        grid=(_B,),
        in_specs=[
            pl.BlockSpec((1, _N, _K, _XW), lambda b: (b, 0, 0, 0)),
            pl.BlockSpec((1, _N, _D), lambda b: (b, 0, 0)),
            pl.BlockSpec((_N, _D), lambda b: (0, 0)),
            pl.BlockSpec((_N, _K), lambda b: (0, 0)),
            pl.BlockSpec((1, _D), lambda b: (0, 0)),
            pl.BlockSpec((1, _XW), lambda b: (0, 0)),
            pl.BlockSpec((1, _D), lambda b: (0, 0)),
            pl.BlockSpec((1, _D), lambda b: (0, 0)),
            pl.BlockSpec((1, _D), lambda b: (0, 0)),
            pl.BlockSpec((1, _D), lambda b: (0, 0)),
        ],
        out_specs=[
            pl.BlockSpec((1, _N, _K), lambda b: (b, 0, 0)),
            pl.BlockSpec((1, _N, 1), lambda b: (b, 0, 0)),
            pl.BlockSpec((1, _N, _D), lambda b: (b, 0, 0)),
            pl.BlockSpec((8, _D), lambda b: (0, 0)),
            pl.BlockSpec((8, _D), lambda b: (0, 0)),
        ],
        out_shape=[
            jax.ShapeDtypeStruct((_B, _N, _K), jnp.float32),
            jax.ShapeDtypeStruct((_B, _N, 1), jnp.float32),
            jax.ShapeDtypeStruct((_B, _N, _D), jnp.float32),
            jax.ShapeDtypeStruct((8, _D), jnp.float32),
            jax.ShapeDtypeStruct((8, _D), jnp.float32),
        ],
    )(xrow4, xlin3, emb, maskf, ai, catj, aj, aei, aej, gb)


def _bn1_body(agg, emb, a1, b1, h_o, s_o, ss_o):
    h = agg[0] * a1[...] + b1[...]
    h = jnp.maximum(h, 0.0) * emb[...]
    h_o[0] = h

    @pl.when(pl.program_id(0) == 0)
    def _():
        s_o[...] = jnp.zeros_like(s_o)
        ss_o[...] = jnp.zeros_like(ss_o)

    s_o[...] += jnp.sum(h.reshape(_N // 8, 8, _D), axis=0)
    ss_o[...] += jnp.sum((h * h).reshape(_N // 8, 8, _D), axis=0)


def _bn1(agg3, emb, a1, b1):
    return pl.pallas_call(
        _bn1_body,
        grid=(_B,),
        in_specs=[
            pl.BlockSpec((1, _N, _D), lambda b: (b, 0, 0)),
            pl.BlockSpec((_N, _D), lambda b: (0, 0)),
            pl.BlockSpec((1, _D), lambda b: (0, 0)),
            pl.BlockSpec((1, _D), lambda b: (0, 0)),
        ],
        out_specs=[
            pl.BlockSpec((1, _N, _D), lambda b: (b, 0, 0)),
            pl.BlockSpec((8, _D), lambda b: (0, 0)),
            pl.BlockSpec((8, _D), lambda b: (0, 0)),
        ],
        out_shape=[
            jax.ShapeDtypeStruct((_B, _N, _D), jnp.float32),
            jax.ShapeDtypeStruct((8, _D), jnp.float32),
            jax.ShapeDtypeStruct((8, _D), jnp.float32),
        ],
    )(agg3, emb, a1, b1)


def _head_body(h, a2, b2, wo, bo, p_o):
    xg = h[0] * a2[...] + b2[...]
    xg = jnp.maximum(xg, 0.0)
    p_o[0] = jnp.dot(xg, wo[...], preferred_element_type=jnp.float32) + bo[...]


def _head(h3, a2, b2, wo, bo):
    return pl.pallas_call(
        _head_body,
        grid=(_B,),
        in_specs=[
            pl.BlockSpec((1, _N, _D), lambda b: (b, 0, 0)),
            pl.BlockSpec((1, _D), lambda b: (0, 0)),
            pl.BlockSpec((1, _D), lambda b: (0, 0)),
            pl.BlockSpec((_D, 1), lambda b: (0, 0)),
            pl.BlockSpec((1, 1), lambda b: (0, 0)),
        ],
        out_specs=pl.BlockSpec((1, _N, 1), lambda b: (b, 0, 0)),
        out_shape=jax.ShapeDtypeStruct((_B, _N, 1), jnp.float32),
    )(h3, a2, b2, wo, bo)


def kernel(data, org_edge_index, emb_table, lin_W, att_i, att_j, att_em_i,
           att_em_j, gnn_bias, bn1_gamma, bn1_beta, bn2_gamma, bn2_beta,
           W_out, b_out):
    weights = lax.stop_gradient(emb_table)
    topk_idx = _topk(weights, weights.T)

    gated_i = jnp.repeat(jnp.arange(_N), _K)
    gated_j = topk_idx.reshape(-1)
    offs = (jnp.arange(_B) * _N)[:, None]
    src = (gated_j[None, :] + offs).reshape(-1)
    dst = (gated_i[None, :] + offs).reshape(-1)
    loop = jnp.arange(_BN)
    src_all = jnp.concatenate([src, loop])
    dst_all = jnp.concatenate([dst, loop])
    edge_index_out = jnp.stack([src_all, dst_all])
    maskf = (topk_idx == jnp.arange(_N)[:, None]).astype(jnp.float32)

    xlin3, xe = _xlin(data.reshape(_B, _N, _W), lin_W, emb_table)

    xrow = _sc_gather(xe.reshape(_BN, _XW),
                      src.astype(jnp.int32).reshape(_E // _CH, _CH))

    att_g, att_s, agg, s1, ss1 = _attention(
        xrow.reshape(_B, _N, _K, _XW), xlin3, emb_table, maskf,
        att_i.reshape(1, _D),
        jnp.concatenate([att_j, att_em_j]).reshape(1, _XW),
        att_j.reshape(1, _D), att_em_i.reshape(1, _D),
        att_em_j.reshape(1, _D), gnn_bias.reshape(1, _D))

    att = jnp.concatenate([att_g.reshape(-1), att_s.reshape(-1)])

    cnt = jnp.float32(_BN)
    mu1 = s1.sum(0) / cnt
    var1 = ss1.sum(0) / cnt - mu1 * mu1
    a1 = bn1_gamma / jnp.sqrt(var1 + 1e-5)
    b1 = bn1_beta - mu1 * a1

    h, s2, ss2 = _bn1(agg, emb_table, a1.reshape(1, _D), b1.reshape(1, _D))

    mu2 = s2.sum(0) / cnt
    var2 = ss2.sum(0) / cnt - mu2 * mu2
    a2 = bn2_gamma / jnp.sqrt(var2 + 1e-5)
    b2 = bn2_beta - mu2 * a2

    pred = _head(h, a2.reshape(1, _D), b2.reshape(1, _D),
                 W_out, b_out.reshape(1, 1)).reshape(-1, _N)

    return (pred, att, edge_index_out, topk_idx, weights)

# --- scband reference (transcript-rebuilt; emitter-appended) ---
"""Pipeline reference for scband-gdn-70282844832165 (READ-ONLY COPY).

The authoritative reference and input builder live on the scoring server;
editing this copy changes nothing except your own understanding.
"""

import jax, jax.numpy as jnp
import numpy as np

B, N, W, D = 128, 1000, 64, 64
TOPK = 20
NEG_SLOPE = 0.2


def _bn(x, gamma, beta, axes, shape):
    mean = x.mean(axis=axes, keepdims=True)
    var = x.var(axis=axes, keepdims=True)
    return gamma.reshape(shape) * (x - mean) / jnp.sqrt(var + 1e-5) + beta.reshape(shape)


def setup_inputs(seed: int = 0):
    key = jax.random.key(seed)
    ks = jax.random.split(key, 16)
    data = jax.random.normal(ks[0], (B, N, W), dtype=jnp.float32)
    org_edge_index = jax.random.randint(ks[1], (2, 2000), 0, N).astype(jnp.int64)
    emb_table = jax.random.normal(ks[2], (N, D), dtype=jnp.float32) * 0.1
    lin_W = jax.random.normal(ks[3], (W, D), dtype=jnp.float32) * (1.0 / np.sqrt(W))
    att_i = jax.random.normal(ks[4], (D,), dtype=jnp.float32) * 0.1
    att_j = jax.random.normal(ks[5], (D,), dtype=jnp.float32) * 0.1
    att_em_i = jax.random.normal(ks[6], (D,), dtype=jnp.float32) * 0.1
    att_em_j = jax.random.normal(ks[7], (D,), dtype=jnp.float32) * 0.1
    gnn_bias = jnp.zeros((D,), dtype=jnp.float32)
    bn1_gamma = jnp.ones((D,), dtype=jnp.float32)
    bn1_beta = jnp.zeros((D,), dtype=jnp.float32)
    bn2_gamma = jnp.ones((D,), dtype=jnp.float32)
    bn2_beta = jnp.zeros((D,), dtype=jnp.float32)
    W_out = jax.random.normal(ks[8], (D, 1), dtype=jnp.float32) * (1.0 / np.sqrt(D))
    b_out = jnp.zeros((1,), dtype=jnp.float32)
    return {"data": data, "org_edge_index": org_edge_index, "emb_table": emb_table,
            "lin_W": lin_W, "att_i": att_i, "att_j": att_j, "att_em_i": att_em_i,
            "att_em_j": att_em_j, "gnn_bias": gnn_bias, "bn1_gamma": bn1_gamma,
            "bn1_beta": bn1_beta, "bn2_gamma": bn2_gamma, "bn2_beta": bn2_beta,
            "W_out": W_out, "b_out": b_out}


def reference(data, org_edge_index, emb_table, lin_W, att_i, att_j, att_em_i, att_em_j,
              gnn_bias, bn1_gamma, bn1_beta, bn2_gamma, bn2_beta, W_out, b_out):
    x = data.reshape(-1, W)
    # graph structure learning (cosine top-k on detached embeddings)
    weights = jax.lax.stop_gradient(emb_table)
    all_embeddings = jnp.tile(emb_table, (B, 1))
    cos = weights @ weights.T
    norms = jnp.linalg.norm(weights, axis=-1)
    cos = cos / (norms[:, None] * norms[None, :])
    topk_vals, topk_idx = jax.lax.top_k(cos, TOPK)
    gated_i = jnp.repeat(jnp.arange(N), TOPK)  # dst
    gated_j = topk_idx.reshape(-1)             # src
    offs = (jnp.arange(B) * N)[:, None]
    src = (gated_j[None, :] + offs).reshape(-1)
    dst = (gated_i[None, :] + offs).reshape(-1)
    # remove self loops from gated edges (mask them) then add one self loop per node
    self_mask = src == dst
    BNn = B * N
    loop = jnp.arange(BNn)
    src_all = jnp.concatenate([src, loop])
    dst_all = jnp.concatenate([dst, loop])
    mask_all = jnp.concatenate([self_mask, jnp.zeros((BNn,), dtype=bool)])
    # GraphLayer (GAT-style with embedding-augmented keys)
    x_lin = x @ lin_W
    x_i = x_lin[dst_all]
    x_j = x_lin[src_all]
    e_i = all_embeddings[dst_all]
    e_j = all_embeddings[src_all]
    key_i = jnp.concatenate([x_i, e_i], axis=-1)
    key_j = jnp.concatenate([x_j, e_j], axis=-1)
    cat_i = jnp.concatenate([att_i, att_em_i])
    cat_j = jnp.concatenate([att_j, att_em_j])
    alpha = (key_i * cat_i).sum(-1) + (key_j * cat_j).sum(-1)
    alpha = jax.nn.leaky_relu(alpha, NEG_SLOPE)
    alpha = jnp.where(mask_all, -1e9, alpha)
    seg_max = jax.ops.segment_max(alpha, dst_all, num_segments=BNn)
    ex = jnp.exp(alpha - seg_max[dst_all])
    ex = jnp.where(mask_all, 0.0, ex)
    denom = jax.ops.segment_sum(ex, dst_all, num_segments=BNn)
    att = ex / denom[dst_all]
    agg = jax.ops.segment_sum(x_j * att[:, None], dst_all, num_segments=BNn)
    agg = agg + gnn_bias
    # GNNLayer: BN + ReLU (batch statistics)
    out = _bn(agg, bn1_gamma, bn1_beta, (0,), (1, D))
    out = jax.nn.relu(out)
    xg = out.reshape(B, N, D)
    xg = xg * emb_table[None, :, :]
    xg = jnp.transpose(xg, (0, 2, 1))
    xg = _bn(xg, bn2_gamma, bn2_beta, (0, 2), (1, D, 1))
    xg = jax.nn.relu(xg)
    xg = jnp.transpose(xg, (0, 2, 1))
    # OutLayer with layer_num=1: single Linear(D, 1)
    pred = (xg @ W_out + b_out).reshape(-1, N)
    edge_index_out = jnp.stack([src_all, dst_all])
    return (pred, att, edge_index_out, topk_idx, weights)

if __name__ == "__main__":
    import jax
    _d = setup_inputs()
    print(jax.jit(kernel)(*tuple(_d.values())))

</pallas_src>

<mosaic_0001>
#map = affine_map<(d0, d1) -> (0, 0)>
module attributes {stable_mosaic.version = 14 : i64} {
  func.func @_sc_gather_body(%arg0: i32, %arg1: i32, %arg2: memref<128000x128xf32, #tpu.memory_space<hbm>>, %arg3: memref<20000x128xi32, #tpu.memory_space<hbm>>, %arg4: memref<2560000x128xf32, #tpu.memory_space<hbm>>, %arg5: memref<3x128xi32, #tpu.memory_space<vmem>>, %arg6: memref<3x128xi32, #tpu.memory_space<vmem>>, %arg7: memref<384x128xf32, #tpu.memory_space<vmem>>, %arg8: memref<384x128xf32, #tpu.memory_space<vmem>>, %arg9: memref<!tpu.dma_semaphore, #tpu.memory_space<semaphore_mem>>, %arg10: memref<!tpu.dma_semaphore, #tpu.memory_space<semaphore_mem>>, %arg11: memref<!tpu.dma_semaphore, #tpu.memory_space<semaphore_mem>>, %arg12: memref<!tpu.dma_semaphore, #tpu.memory_space<semaphore_mem>>) attributes {dimension_semantics = [#tpu.dimension_semantics<core_parallel>, #tpu.dimension_semantics<subcore_parallel>], iteration_bounds = array<i64: 2, 16>, scalar_prefetch = 0 : i64, scratch_operands = 8 : i64, tpu.core_type = #tpu.core_type<sc_vector_subcore>, window_params = [{transform_indices = #map}, {transform_indices = #map}, {transform_indices = #map}]} {
    %mul3A = arith.constant 2 : i32
    %mul3A_0 = arith.muli %arg1, %mul3A : i32
    %add3A = arith.addi %mul3A_0, %arg0 : i32
    %mul3A_1 = arith.constant 625 : i32
    %mul3A_2 = arith.muli %add3A, %mul3A_1 : i32
    %scan3A = arith.constant 0 : i32
    %scan3A_3 = arith.constant 0 : i32
    %scan3A_4 = arith.constant 104 : i32
    %scan3A_5 = arith.addi %scan3A_3, %scan3A_4 : i32
    %scan3A_6 = arith.constant 1 : i32
    scf.for %scan3A_44 = %scan3A_3 to %scan3A_5 step %scan3A_6  : i32 {
      %mul3A_45 = arith.constant 2 : i32
      %mul3A_46 = arith.muli %scan3A_44, %mul3A_45 : i32
      %eq3A = arith.constant 0 : i32
      %eq3A_47 = arith.cmpi eq, %scan3A_44, %eq3A : i32
      %mul3A_48 = arith.constant 3 : i32
      %mul3A_49 = arith.muli %mul3A_46, %mul3A_48 : i32
      %add3A_50 = arith.addi %mul3A_2, %mul3A_49 : i32
      %add3A_51 = arith.constant 0 : i32
      %add3A_52 = arith.addi %add3A_50, %add3A_51 : i32
      %dma_start3A_53 = arith.constant 0 : i32
      %dma_start3A_54 = arith.constant 0 : i32
      %dma_start3A_55 = tpu.memref_slice %arg5[%dma_start3A_53, %dma_start3A_54] : memref<3x128xi32, #tpu.memory_space<vmem>> -> memref<1x128xi32, #tpu.memory_space<vmem>>
      %dma_start3A_56 = tpu.memref_squeeze %dma_start3A_55 : memref<1x128xi32, #tpu.memory_space<vmem>> -> memref<128xi32, #tpu.memory_space<vmem>>
      %dma_start3A_57 = arith.constant 0 : i32
      %dma_start3A_58 = tpu.memref_slice %arg3[%add3A_52, %dma_start3A_57] : memref<20000x128xi32, #tpu.memory_space<hbm>> -> memref<1x128xi32, #tpu.memory_space<hbm>>
      %dma_start3A_59 = tpu.memref_squeeze %dma_start3A_58 : memref<1x128xi32, #tpu.memory_space<hbm>> -> memref<128xi32, #tpu.memory_space<hbm>>
      %dma_start3A_60 = arith.constant 0 : i32
      %dma_start3A_61 = tpu.memref_slice %arg5[%dma_start3A_53, %dma_start3A_60] : memref<3x128xi32, #tpu.memory_space<vmem>> -> memref<1x128xi32, #tpu.memory_space<vmem>>
      %dma_start3A_62 = tpu.memref_squeeze %dma_start3A_61 : memref<1x128xi32, #tpu.memory_space<vmem>> -> memref<128xi32, #tpu.memory_space<vmem>>
      %dma_start3A_63 = arith.constant 0 : i32
      %dma_start3A_64 = tpu.memref_slice %arg3[%add3A_52, %dma_start3A_63] : memref<20000x128xi32, #tpu.memory_space<hbm>> -> memref<1x128xi32, #tpu.memory_space<hbm>>
      %dma_start3A_65 = tpu.memref_squeeze %dma_start3A_64 : memref<1x128xi32, #tpu.memory_space<hbm>> -> memref<128xi32, #tpu.memory_space<hbm>>
      tpu.enqueue_dma source(%dma_start3A_65 : memref<128xi32, #tpu.memory_space<hbm>>) target(%dma_start3A_62 : memref<128xi32, #tpu.memory_space<vmem>>) target_semaphore(%arg9 : memref<!tpu.dma_semaphore, #tpu.memory_space<semaphore_mem>>)
      %add3A_66 = arith.constant 1 : i32
      %add3A_67 = arith.addi %add3A_50, %add3A_66 : i32
      %dma_start3A_68 = arith.constant 1 : i32
      %dma_start3A_69 = arith.constant 0 : i32
      %dma_start3A_70 = tpu.memref_slice %arg5[%dma_start3A_68, %dma_start3A_69] : memref<3x128xi32, #tpu.memory_space<vmem>> -> memref<1x128xi32, #tpu.memory_space<vmem>>
      %dma_start3A_71 = tpu.memref_squeeze %dma_start3A_70 : memref<1x128xi32, #tpu.memory_space<vmem>> -> memref<128xi32, #tpu.memory_space<vmem>>
      %dma_start3A_72 = arith.constant 0 : i32
      %dma_start3A_73 = tpu.memref_slice %arg3[%add3A_67, %dma_start3A_72] : memref<20000x128xi32, #tpu.memory_space<hbm>> -> memref<1x128xi32, #tpu.memory_space<hbm>>
      %dma_start3A_74 = tpu.memref_squeeze %dma_start3A_73 : memref<1x128xi32, #tpu.memory_space<hbm>> -> memref<128xi32, #tpu.memory_space<hbm>>
      %dma_start3A_75 = arith.constant 0 : i32
      %dma_start3A_76 = tpu.memref_slice %arg5[%dma_start3A_68, %dma_start3A_75] : memref<3x128xi32, #tpu.memory_space<vmem>> -> memref<1x128xi32, #tpu.memory_space<vmem>>
      %dma_start3A_77 = tpu.memref_squeeze %dma_start3A_76 : memref<1x128xi32, #tpu.memory_space<vmem>> -> memref<128xi32, #tpu.memory_space<vmem>>
      %dma_start3A_78 = arith.constant 0 : i32
      %dma_start3A_79 = tpu.memref_slice %arg3[%add3A_67, %dma_start3A_78] : memref<20000x128xi32, #tpu.memory_space<hbm>> -> memref<1x128xi32, #tpu.memory_space<hbm>>
      %dma_start3A_80 = tpu.memref_squeeze %dma_start3A_79 : memref<1x128xi32, #tpu.memory_space<hbm>> -> memref<128xi32, #tpu.memory_space<hbm>>
      tpu.enqueue_dma source(%dma_start3A_80 : memref<128xi32, #tpu.memory_space<hbm>>) target(%dma_start3A_77 : memref<128xi32, #tpu.memory_space<vmem>>) target_semaphore(%arg9 : memref<!tpu.dma_semaphore, #tpu.memory_space<semaphore_mem>>)
      %add3A_81 = arith.constant 2 : i32
      %add3A_82 = arith.addi %add3A_50, %add3A_81 : i32
      %dma_start3A_83 = arith.constant 2 : i32
      %dma_start3A_84 = arith.constant 0 : i32
      %dma_start3A_85 = tpu.memref_slice %arg5[%dma_start3A_83, %dma_start3A_84] : memref<3x128xi32, #tpu.memory_space<vmem>> -> memref<1x128xi32, #tpu.memory_space<vmem>>
      %dma_start3A_86 = tpu.memref_squeeze %dma_start3A_85 : memref<1x128xi32, #tpu.memory_space<vmem>> -> memref<128xi32, #tpu.memory_space<vmem>>
      %dma_start3A_87 = arith.constant 0 : i32
      %dma_start3A_88 = tpu.memref_slice %arg3[%add3A_82, %dma_start3A_87] : memref<20000x128xi32, #tpu.memory_space<hbm>> -> memref<1x128xi32, #tpu.memory_space<hbm>>
      %dma_start3A_89 = tpu.memref_squeeze %dma_start3A_88 : memref<1x128xi32, #tpu.memory_space<hbm>> -> memref<128xi32, #tpu.memory_space<hbm>>
      %dma_start3A_90 = arith.constant 0 : i32
      %dma_start3A_91 = tpu.memref_slice %arg5[%dma_start3A_83, %dma_start3A_90] : memref<3x128xi32, #tpu.memory_space<vmem>> -> memref<1x128xi32, #tpu.memory_space<vmem>>
      %dma_start3A_92 = tpu.memref_squeeze %dma_start3A_91 : memref<1x128xi32, #tpu.memory_space<vmem>> -> memref<128xi32, #tpu.memory_space<vmem>>
      %dma_start3A_93 = arith.constant 0 : i32
      %dma_start3A_94 = tpu.memref_slice %arg3[%add3A_82, %dma_start3A_93] : memref<20000x128xi32, #tpu.memory_space<hbm>> -> memref<1x128xi32, #tpu.memory_space<hbm>>
      %dma_start3A_95 = tpu.memref_squeeze %dma_start3A_94 : memref<1x128xi32, #tpu.memory_space<hbm>> -> memref<128xi32, #tpu.memory_space<hbm>>
      tpu.enqueue_dma source(%dma_start3A_95 : memref<128xi32, #tpu.memory_space<hbm>>) target(%dma_start3A_92 : memref<128xi32, #tpu.memory_space<vmem>>) target_semaphore(%arg9 : memref<!tpu.dma_semaphore, #tpu.memory_space<semaphore_mem>>)
      %dma_wait3A_96 = arith.constant 0 : i32
      %dma_wait3A_97 = arith.constant 0 : i32
      %dma_wait3A_98 = tpu.memref_slice %arg3[%dma_wait3A_96, %dma_wait3A_97] : memref<20000x128xi32, #tpu.memory_space<hbm>> -> memref<3x128xi32, #tpu.memory_space<hbm>>
      %dma_wait3A_99 = arith.constant 0 : i32
      %dma_wait3A_100 = arith.constant 0 : i32
      %dma_wait3A_101 = tpu.memref_slice %arg3[%dma_wait3A_99, %dma_wait3A_100] : memref<20000x128xi32, #tpu.memory_space<hbm>> -> memref<3x128xi32, #tpu.memory_space<hbm>>
      tpu.wait_dma2 semaphore(%arg9 : memref<!tpu.dma_semaphore, #tpu.memory_space<semaphore_mem>>) src(%dma_wait3A_101 : memref<3x128xi32, #tpu.memory_space<hbm>>) dst(%arg5 : memref<3x128xi32, #tpu.memory_space<vmem>>)
      %not3A = arith.constant true
      %not3A_102 = arith.xori %eq3A_47, %not3A : i1
      %convert_element_type3A = arith.extui %not3A_102 : i1 to i32
      %cond3A = arith.constant 0 : i32
      %cond3A_103 = arith.cmpi ne, %convert_element_type3A, %cond3A : i32
      scf.if %cond3A_103 {
        %dma_wait3A_253 = arith.constant 0 : i32
        %dma_wait3A_254 = arith.constant 0 : i32
        %dma_wait3A_255 = tpu.memref_slice %arg4[%dma_wait3A_253, %dma_wait3A_254] : memref<2560000x128xf32, #tpu.memory_space<hbm>> -> memref<384x128xf32, #tpu.memory_space<hbm>>
        %dma_wait3A_256 = arith.constant 0 : i32
        %dma_wait3A_257 = arith.constant 0 : i32
        %dma_wait3A_258 = tpu.memref_slice %arg4[%dma_wait3A_256, %dma_wait3A_257] : memref<2560000x128xf32, #tpu.memory_space<hbm>> -> memref<384x128xf32, #tpu.memory_space<hbm>>
        tpu.wait_dma2 semaphore(%arg11 : memref<!tpu.dma_semaphore, #tpu.memory_space<semaphore_mem>>) src(%dma_wait3A_258 : memref<384x128xf32, #tpu.memory_space<hbm>>) dst(%arg7 : memref<384x128xf32, #tpu.memory_space<vmem>>)
      } else {
      }
      %dma_start3A_104 = arith.constant 0 : i32
      %dma_start3A_105 = arith.constant 0 : i32
      %dma_start3A_106 = arith.constant 0 : i32
      %dma_start3A_107 = tpu.memref_slice %arg7[%dma_start3A_105, %dma_start3A_106] : memref<384x128xf32, #tpu.memory_space<vmem>> -> memref<128x128xf32, #tpu.memory_space<vmem>>
      %dma_start3A_108 = arith.constant 0 : i32
      %dma_start3A_109 = tpu.memref_slice %arg5[%dma_start3A_104, %dma_start3A_108] : memref<3x128xi32, #tpu.memory_space<vmem>> -> memref<1x128xi32, #tpu.memory_space<vmem>>
      %dma_start3A_110 = tpu.memref_squeeze %dma_start3A_109 : memref<1x128xi32, #tpu.memory_space<vmem>> -> memref<128xi32, #tpu.memory_space<vmem>>
      %dma_start3A_111 = arith.constant 0 : i32
      %dma_start3A_112 = arith.constant 0 : i32
      %dma_start3A_113 = tpu.memref_slice %arg2[%dma_start3A_111, %dma_start3A_112] : memref<128000x128xf32, #tpu.memory_space<hbm>> -> memref<128000x128xf32, #tpu.memory_space<hbm>>
      tpu.enqueue_indirect_dma source(%dma_start3A_113 : memref<128000x128xf32, #tpu.memory_space<hbm>>) target(%dma_start3A_107 : memref<128x128xf32, #tpu.memory_space<vmem>>) offsets(%dma_start3A_110 : memref<128xi32, #tpu.memory_space<vmem>>) semaphore(%arg9 : memref<!tpu.dma_semaphore, #tpu.memory_space<semaphore_mem>>)
      %dma_start3A_114 = arith.constant 1 : i32
      %dma_start3A_115 = arith.constant 128 : i32
      %dma_start3A_116 = arith.constant 0 : i32
      %dma_start3A_117 = tpu.memref_slice %arg7[%dma_start3A_115, %dma_start3A_116] : memref<384x128xf32, #tpu.memory_space<vmem>> -> memref<128x128xf32, #tpu.memory_space<vmem>>
      %dma_start3A_118 = arith.constant 0 : i32
      %dma_start3A_119 = tpu.memref_slice %arg5[%dma_start3A_114, %dma_start3A_118] : memref<3x128xi32, #tpu.memory_space<vmem>> -> memref<1x128xi32, #tpu.memory_space<vmem>>
      %dma_start3A_120 = tpu.memref_squeeze %dma_start3A_119 : memref<1x128xi32, #tpu.memory_space<vmem>> -> memref<128xi32, #tpu.memory_space<vmem>>
      %dma_start3A_121 = arith.constant 0 : i32
      %dma_start3A_122 = arith.constant 0 : i32
      %dma_start3A_123 = tpu.memref_slice %arg2[%dma_start3A_121, %dma_start3A_122] : memref<128000x128xf32, #tpu.memory_space<hbm>> -> memref<128000x128xf32, #tpu.memory_space<hbm>>
      tpu.enqueue_indirect_dma source(%dma_start3A_123 : memref<128000x128xf32, #tpu.memory_space<hbm>>) target(%dma_start3A_117 : memref<128x128xf32, #tpu.memory_space<vmem>>) offsets(%dma_start3A_120 : memref<128xi32, #tpu.memory_space<vmem>>) semaphore(%arg9 : memref<!tpu.dma_semaphore, #tpu.memory_space<semaphore_mem>>)
      %dma_start3A_124 = arith.constant 2 : i32
      %dma_start3A_125 = arith.constant 256 : i32
      %dma_start3A_126 = arith.constant 0 : i32
      %dma_start3A_127 = tpu.memref_slice %arg7[%dma_start3A_125, %dma_start3A_126] : memref<384x128xf32, #tpu.memory_space<vmem>> -> memref<128x128xf32, #tpu.memory_space<vmem>>
      %dma_start3A_128 = arith.constant 0 : i32
      %dma_start3A_129 = tpu.memref_slice %arg5[%dma_start3A_124, %dma_start3A_128] : memref<3x128xi32, #tpu.memory_space<vmem>> -> memref<1x128xi32, #tpu.memory_space<vmem>>
      %dma_start3A_130 = tpu.memref_squeeze %dma_start3A_129 : memref<1x128xi32, #tpu.memory_space<vmem>> -> memref<128xi32, #tpu.memory_space<vmem>>
      %dma_start3A_131 = arith.constant 0 : i32
      %dma_start3A_132 = arith.constant 0 : i32
      %dma_start3A_133 = tpu.memref_slice %arg2[%dma_start3A_131, %dma_start3A_132] : memref<128000x128xf32, #tpu.memory_space<hbm>> -> memref<128000x128xf32, #tpu.memory_space<hbm>>
      tpu.enqueue_indirect_dma source(%dma_start3A_133 : memref<128000x128xf32, #tpu.memory_space<hbm>>) target(%dma_start3A_127 : memref<128x128xf32, #tpu.memory_space<vmem>>) offsets(%dma_start3A_130 : memref<128xi32, #tpu.memory_space<vmem>>) semaphore(%arg9 : memref<!tpu.dma_semaphore, #tpu.memory_space<semaphore_mem>>)
      %dma_wait3A_134 = arith.constant 0 : i32
      %dma_wait3A_135 = arith.constant 0 : i32
      %dma_wait3A_136 = tpu.memref_slice %arg4[%dma_wait3A_134, %dma_wait3A_135] : memref<2560000x128xf32, #tpu.memory_space<hbm>> -> memref<384x128xf32, #tpu.memory_space<hbm>>
      %dma_wait3A_137 = arith.constant 0 : i32
      %dma_wait3A_138 = arith.constant 0 : i32
      %dma_wait3A_139 = tpu.memref_slice %arg4[%dma_wait3A_137, %dma_wait3A_138] : memref<2560000x128xf32, #tpu.memory_space<hbm>> -> memref<384x128xf32, #tpu.memory_space<hbm>>
      tpu.wait_dma2 semaphore(%arg9 : memref<!tpu.dma_semaphore, #tpu.memory_space<semaphore_mem>>) src(%dma_wait3A_139 : memref<384x128xf32, #tpu.memory_space<hbm>>) dst(%arg7 : memref<384x128xf32, #tpu.memory_space<vmem>>)
      %mul3A_140 = arith.constant 128 : i32
      %mul3A_141 = arith.muli %add3A_50, %mul3A_140 : i32
      %dma_start3A_142 = arith.constant 0 : i32
      %dma_start3A_143 = tpu.memref_slice %arg4[%mul3A_141, %dma_start3A_142] : memref<2560000x128xf32, #tpu.memory_space<hbm>> -> memref<384x128xf32, #tpu.memory_space<hbm>>
      %dma_start3A_144 = arith.constant 0 : i32
      %dma_start3A_145 = tpu.memref_slice %arg4[%mul3A_141, %dma_start3A_144] : memref<2560000x128xf32, #tpu.memory_space<hbm>> -> memref<384x128xf32, #tpu.memory_space<hbm>>
      tpu.enqueue_dma source(%arg7 : memref<384x128xf32, #tpu.memory_space<vmem>>) target(%dma_start3A_145 : memref<384x128xf32, #tpu.memory_space<hbm>>) target_semaphore(%arg11 : memref<!tpu.dma_semaphore, #tpu.memory_space<semaphore_mem>>)
      %mul3A_146 = arith.constant 2 : i32
      %mul3A_147 = arith.muli %scan3A_44, %mul3A_146 : i32
      %add3A_148 = arith.constant 1 : i32
      %add3A_149 = arith.addi %mul3A_147, %add3A_148 : i32
      %eq3A_150 = arith.constant 0 : i32
      %eq3A_151 = arith.cmpi eq, %scan3A_44, %eq3A_150 : i32
      %mul3A_152 = arith.constant 3 : i32
      %mul3A_153 = arith.muli %add3A_149, %mul3A_152 : i32
      %add3A_154 = arith.addi %mul3A_2, %mul3A_153 : i32
      %add3A_155 = arith.constant 0 : i32
      %add3A_156 = arith.addi %add3A_154, %add3A_155 : i32
      %dma_start3A_157 = arith.constant 0 : i32
      %dma_start3A_158 = arith.constant 0 : i32
      %dma_start3A_159 = tpu.memref_slice %arg6[%dma_start3A_157, %dma_start3A_158] : memref<3x128xi32, #tpu.memory_space<vmem>> -> memref<1x128xi32, #tpu.memory_space<vmem>>
      %dma_start3A_160 = tpu.memref_squeeze %dma_start3A_159 : memref<1x128xi32, #tpu.memory_space<vmem>> -> memref<128xi32, #tpu.memory_space<vmem>>
      %dma_start3A_161 = arith.constant 0 : i32
      %dma_start3A_162 = tpu.memref_slice %arg3[%add3A_156, %dma_start3A_161] : memref<20000x128xi32, #tpu.memory_space<hbm>> -> memref<1x128xi32, #tpu.memory_space<hbm>>
      %dma_start3A_163 = tpu.memref_squeeze %dma_start3A_162 : memref<1x128xi32, #tpu.memory_space<hbm>> -> memref<128xi32, #tpu.memory_space<hbm>>
      %dma_start3A_164 = arith.constant 0 : i32
      %dma_start3A_165 = tpu.memref_slice %arg6[%dma_start3A_157, %dma_start3A_164] : memref<3x128xi32, #tpu.memory_space<vmem>> -> memref<1x128xi32, #tpu.memory_space<vmem>>
      %dma_start3A_166 = tpu.memref_squeeze %dma_start3A_165 : memref<1x128xi32, #tpu.memory_space<vmem>> -> memref<128xi32, #tpu.memory_space<vmem>>
      %dma_start3A_167 = arith.constant 0 : i32
      %dma_start3A_168 = tpu.memref_slice %arg3[%add3A_156, %dma_start3A_167] : memref<20000x128xi32, #tpu.memory_space<hbm>> -> memref<1x128xi32, #tpu.memory_space<hbm>>
      %dma_start3A_169 = tpu.memref_squeeze %dma_start3A_168 : memref<1x128xi32, #tpu.memory_space<hbm>> -> memref<128xi32, #tpu.memory_space<hbm>>
      tpu.enqueue_dma source(%dma_start3A_169 : memref<128xi32, #tpu.memory_space<hbm>>) target(%dma_start3A_166 : memref<128xi32, #tpu.memory_space<vmem>>) target_semaphore(%arg10 : memref<!tpu.dma_semaphore, #tpu.memory_space<semaphore_mem>>)
      %add3A_170 = arith.constant 1 : i32
      %add3A_171 = arith.addi %add3A_154, %add3A_170 : i32
      %dma_start3A_172 = arith.constant 1 : i32
      %dma_start3A_173 = arith.constant 0 : i32
      %dma_start3A_174 = tpu.memref_slice %arg6[%dma_start3A_172, %dma_start3A_173] : memref<3x128xi32, #tpu.memory_space<vmem>> -> memref<1x128xi32, #tpu.memory_space<vmem>>
      %dma_start3A_175 = tpu.memref_squeeze %dma_start3A_174 : memref<1x128xi32, #tpu.memory_space<vmem>> -> memref<128xi32, #tpu.memory_space<vmem>>
      %dma_start3A_176 = arith.constant 0 : i32
      %dma_start3A_177 = tpu.memref_slice %arg3[%add3A_171, %dma_start3A_176] : memref<20000x128xi32, #tpu.memory_space<hbm>> -> memref<1x128xi32, #tpu.memory_space<hbm>>
      %dma_start3A_178 = tpu.memref_squeeze %dma_start3A_177 : memref<1x128xi32, #tpu.memory_space<hbm>> -> memref<128xi32, #tpu.memory_space<hbm>>
      %dma_start3A_179 = arith.constant 0 : i32
      %dma_start3A_180 = tpu.memref_slice %arg6[%dma_start3A_172, %dma_start3A_179] : memref<3x128xi32, #tpu.memory_space<vmem>> -> memref<1x128xi32, #tpu.memory_space<vmem>>
      %dma_start3A_181 = tpu.memref_squeeze %dma_start3A_180 : memref<1x128xi32, #tpu.memory_space<vmem>> -> memref<128xi32, #tpu.memory_space<vmem>>
      %dma_start3A_182 = arith.constant 0 : i32
      %dma_start3A_183 = tpu.memref_slice %arg3[%add3A_171, %dma_start3A_182] : memref<20000x128xi32, #tpu.memory_space<hbm>> -> memref<1x128xi32, #tpu.memory_space<hbm>>
      %dma_start3A_184 = tpu.memref_squeeze %dma_start3A_183 : memref<1x128xi32, #tpu.memory_space<hbm>> -> memref<128xi32, #tpu.memory_space<hbm>>
      tpu.enqueue_dma source(%dma_start3A_184 : memref<128xi32, #tpu.memory_space<hbm>>) target(%dma_start3A_181 : memref<128xi32, #tpu.memory_space<vmem>>) target_semaphore(%arg10 : memref<!tpu.dma_semaphore, #tpu.memory_space<semaphore_mem>>)
      %add3A_185 = arith.constant 2 : i32
      %add3A_186 = arith.addi %add3A_154, %add3A_185 : i32
      %dma_start3A_187 = arith.constant 2 : i32
      %dma_start3A_188 = arith.constant 0 : i32
      %dma_start3A_189 = tpu.memref_slice %arg6[%dma_start3A_187, %dma_start3A_188] : memref<3x128xi32, #tpu.memory_space<vmem>> -> memref<1x128xi32, #tpu.memory_space<vmem>>
      %dma_start3A_190 = tpu.memref_squeeze %dma_start3A_189 : memref<1x128xi32, #tpu.memory_space<vmem>> -> memref<128xi32, #tpu.memory_space<vmem>>
      %dma_start3A_191 = arith.constant 0 : i32
      %dma_start3A_192 = tpu.memref_slice %arg3[%add3A_186, %dma_start3A_191] : memref<20000x128xi32, #tpu.memory_space<hbm>> -> memref<1x128xi32, #tpu.memory_space<hbm>>
      %dma_start3A_193 = tpu.memref_squeeze %dma_start3A_192 : memref<1x128xi32, #tpu.memory_space<hbm>> -> memref<128xi32, #tpu.memory_space<hbm>>
      %dma_start3A_194 = arith.constant 0 : i32
      %dma_start3A_195 = tpu.memref_slice %arg6[%dma_start3A_187, %dma_start3A_194] : memref<3x128xi32, #tpu.memory_space<vmem>> -> memref<1x128xi32, #tpu.memory_space<vmem>>
      %dma_start3A_196 = tpu.memref_squeeze %dma_start3A_195 : memref<1x128xi32, #tpu.memory_space<vmem>> -> memref<128xi32, #tpu.memory_space<vmem>>
      %dma_start3A_197 = arith.constant 0 : i32
      %dma_start3A_198 = tpu.memref_slice %arg3[%add3A_186, %dma_start3A_197] : memref<20000x128xi32, #tpu.memory_space<hbm>> -> memref<1x128xi32, #tpu.memory_space<hbm>>
      %dma_start3A_199 = tpu.memref_squeeze %dma_start3A_198 : memref<1x128xi32, #tpu.memory_space<hbm>> -> memref<128xi32, #tpu.memory_space<hbm>>
      tpu.enqueue_dma source(%dma_start3A_199 : memref<128xi32, #tpu.memory_space<hbm>>) target(%dma_start3A_196 : memref<128xi32, #tpu.memory_space<vmem>>) target_semaphore(%arg10 : memref<!tpu.dma_semaphore, #tpu.memory_space<semaphore_mem>>)
      %dma_wait3A_200 = arith.constant 0 : i32
      %dma_wait3A_201 = arith.constant 0 : i32
      %dma_wait3A_202 = tpu.memref_slice %arg3[%dma_wait3A_200, %dma_wait3A_201] : memref<20000x128xi32, #tpu.memory_space<hbm>> -> memref<3x128xi32, #tpu.memory_space<hbm>>
      %dma_wait3A_203 = arith.constant 0 : i32
      %dma_wait3A_204 = arith.constant 0 : i32
      %dma_wait3A_205 = tpu.memref_slice %arg3[%dma_wait3A_203, %dma_wait3A_204] : memref<20000x128xi32, #tpu.memory_space<hbm>> -> memref<3x128xi32, #tpu.memory_space<hbm>>
      tpu.wait_dma2 semaphore(%arg10 : memref<!tpu.dma_semaphore, #tpu.memory_space<semaphore_mem>>) src(%dma_wait3A_205 : memref<3x128xi32, #tpu.memory_space<hbm>>) dst(%arg6 : memref<3x128xi32, #tpu.memory_space<vmem>>)
      %not3A_206 = arith.constant true
      %not3A_207 = arith.xori %eq3A_151, %not3A_206 : i1
      %convert_element_type3A_208 = arith.extui %not3A_207 : i1 to i32
      %cond3A_209 = arith.constant 0 : i32
      %cond3A_210 = arith.cmpi ne, %convert_element_type3A_208, %cond3A_209 : i32
      scf.if %cond3A_210 {
        %dma_wait3A_253 = arith.constant 0 : i32
        %dma_wait3A_254 = arith.constant 0 : i32
        %dma_wait3A_255 = tpu.memref_slice %arg4[%dma_wait3A_253, %dma_wait3A_254] : memref<2560000x128xf32, #tpu.memory_space<hbm>> -> memref<384x128xf32, #tpu.memory_space<hbm>>
        %dma_wait3A_256 = arith.constant 0 : i32
        %dma_wait3A_257 = arith.constant 0 : i32
        %dma_wait3A_258 = tpu.memref_slice %arg4[%dma_wait3A_256, %dma_wait3A_257] : memref<2560000x128xf32, #tpu.memory_space<hbm>> -> memref<384x128xf32, #tpu.memory_space<hbm>>
        tpu.wait_dma2 semaphore(%arg12 : memref<!tpu.dma_semaphore, #tpu.memory_space<semaphore_mem>>) src(%dma_wait3A_258 : memref<384x128xf32, #tpu.memory_space<hbm>>) dst(%arg8 : memref<384x128xf32, #tpu.memory_space<vmem>>)
      } else {
      }
      %dma_start3A_211 = arith.constant 0 : i32
      %dma_start3A_212 = arith.constant 0 : i32
      %dma_start3A_213 = arith.constant 0 : i32
      %dma_start3A_214 = tpu.memref_slice %arg8[%dma_start3A_212, %dma_start3A_213] : memref<384x128xf32, #tpu.memory_space<vmem>> -> memref<128x128xf32, #tpu.memory_space<vmem>>
      %dma_start3A_215 = arith.constant 0 : i32
      %dma_start3A_216 = tpu.memref_slice %arg6[%dma_start3A_211, %dma_start3A_215] : memref<3x128xi32, #tpu.memory_space<vmem>> -> memref<1x128xi32, #tpu.memory_space<vmem>>
      %dma_start3A_217 = tpu.memref_squeeze %dma_start3A_216 : memref<1x128xi32, #tpu.memory_space<vmem>> -> memref<128xi32, #tpu.memory_space<vmem>>
      %dma_start3A_218 = arith.constant 0 : i32
      %dma_start3A_219 = arith.constant 0 : i32
      %dma_start3A_220 = tpu.memref_slice %arg2[%dma_start3A_218, %dma_start3A_219] : memref<128000x128xf32, #tpu.memory_space<hbm>> -> memref<128000x128xf32, #tpu.memory_space<hbm>>
      tpu.enqueue_indirect_dma source(%dma_start3A_220 : memref<128000x128xf32, #tpu.memory_space<hbm>>) target(%dma_start3A_214 : memref<128x128xf32, #tpu.memory_space<vmem>>) offsets(%dma_start3A_217 : memref<128xi32, #tpu.memory_space<vmem>>) semaphore(%arg10 : memref<!tpu.dma_semaphore, #tpu.memory_space<semaphore_mem>>)
      %dma_start3A_221 = arith.constant 1 : i32
      %dma_start3A_222 = arith.constant 128 : i32
      %dma_start3A_223 = arith.constant 0 : i32
      %dma_start3A_224 = tpu.memref_slice %arg8[%dma_start3A_222, %dma_start3A_223] : memref<384x128xf32, #tpu.memory_space<vmem>> -> memref<128x128xf32, #tpu.memory_space<vmem>>
      %dma_start3A_225 = arith.constant 0 : i32
      %dma_start3A_226 = tpu.memref_slice %arg6[%dma_start3A_221, %dma_start3A_225] : memref<3x128xi32, #tpu.memory_space<vmem>> -> memref<1x128xi32, #tpu.memory_space<vmem>>
      %dma_start3A_227 = tpu.memref_squeeze %dma_start3A_226 : memref<1x128xi32, #tpu.memory_space<vmem>> -> memref<128xi32, #tpu.memory_space<vmem>>
      %dma_start3A_228 = arith.constant 0 : i32
      %dma_start3A_229 = arith.constant 0 : i32
      %dma_start3A_230 = tpu.memref_slice %arg2[%dma_start3A_228, %dma_start3A_229] : memref<128000x128xf32, #tpu.memory_space<hbm>> -> memref<128000x128xf32, #tpu.memory_space<hbm>>
      tpu.enqueue_indirect_dma source(%dma_start3A_230 : memref<128000x128xf32, #tpu.memory_space<hbm>>) target(%dma_start3A_224 : memref<128x128xf32, #tpu.memory_space<vmem>>) offsets(%dma_start3A_227 : memref<128xi32, #tpu.memory_space<vmem>>) semaphore(%arg10 : memref<!tpu.dma_semaphore, #tpu.memory_space<semaphore_mem>>)
      %dma_start3A_231 = arith.constant 2 : i32
      %dma_start3A_232 = arith.constant 256 : i32
      %dma_start3A_233 = arith.constant 0 : i32
      %dma_start3A_234 = tpu.memref_slice %arg8[%dma_start3A_232, %dma_start3A_233] : memref<384x128xf32, #tpu.memory_space<vmem>> -> memref<128x128xf32, #tpu.memory_space<vmem>>
      %dma_start3A_235 = arith.constant 0 : i32
      %dma_start3A_236 = tpu.memref_slice %arg6[%dma_start3A_231, %dma_start3A_235] : memref<3x128xi32, #tpu.memory_space<vmem>> -> memref<1x128xi32, #tpu.memory_space<vmem>>
      %dma_start3A_237 = tpu.memref_squeeze %dma_start3A_236 : memref<1x128xi32, #tpu.memory_space<vmem>> -> memref<128xi32, #tpu.memory_space<vmem>>
      %dma_start3A_238 = arith.constant 0 : i32
      %dma_start3A_239 = arith.constant 0 : i32
      %dma_start3A_240 = tpu.memref_slice %arg2[%dma_start3A_238, %dma_start3A_239] : memref<128000x128xf32, #tpu.memory_space<hbm>> -> memref<128000x128xf32, #tpu.memory_space<hbm>>
      tpu.enqueue_indirect_dma source(%dma_start3A_240 : memref<128000x128xf32, #tpu.memory_space<hbm>>) target(%dma_start3A_234 : memref<128x128xf32, #tpu.memory_space<vmem>>) offsets(%dma_start3A_237 : memref<128xi32, #tpu.memory_space<vmem>>) semaphore(%arg10 : memref<!tpu.dma_semaphore, #tpu.memory_space<semaphore_mem>>)
      %dma_wait3A_241 = arith.constant 0 : i32
      %dma_wait3A_242 = arith.constant 0 : i32
      %dma_wait3A_243 = tpu.memref_slice %arg4[%dma_wait3A_241, %dma_wait3A_242] : memref<2560000x128xf32, #tpu.memory_space<hbm>> -> memref<384x128xf32, #tpu.memory_space<hbm>>
      %dma_wait3A_244 = arith.constant 0 : i32
      %dma_wait3A_245 = arith.constant 0 : i32
      %dma_wait3A_246 = tpu.memref_slice %arg4[%dma_wait3A_244, %dma_wait3A_245] : memref<2560000x128xf32, #tpu.memory_space<hbm>> -> memref<384x128xf32, #tpu.memory_space<hbm>>
      tpu.wait_dma2 semaphore(%arg10 : memref<!tpu.dma_semaphore, #tpu.memory_space<semaphore_mem>>) src(%dma_wait3A_246 : memref<384x128xf32, #tpu.memory_space<hbm>>) dst(%arg8 : memref<384x128xf32, #tpu.memory_space<vmem>>)
      %mul3A_247 = arith.constant 128 : i32
      %mul3A_248 = arith.muli %add3A_154, %mul3A_247 : i32
      %dma_start3A_249 = arith.constant 0 : i32
      %dma_start3A_250 = tpu.memref_slice %arg4[%mul3A_248, %dma_start3A_249] : memref<2560000x128xf32, #tpu.memory_space<hbm>> -> memref<384x128xf32, #tpu.memory_space<hbm>>
      %dma_start3A_251 = arith.constant 0 : i32
      %dma_start3A_252 = tpu.memref_slice %arg4[%mul3A_248, %dma_start3A_251] : memref<2560000x128xf32, #tpu.memory_space<hbm>> -> memref<384x128xf32, #tpu.memory_space<hbm>>
      tpu.enqueue_dma source(%arg8 : memref<384x128xf32, #tpu.memory_space<vmem>>) target(%dma_start3A_252 : memref<384x128xf32, #tpu.memory_space<hbm>>) target_semaphore(%arg12 : memref<!tpu.dma_semaphore, #tpu.memory_space<semaphore_mem>>)
    }
    %scan3A_7 = arith.constant 104 : i32
    %add3A_8 = arith.constant 624 : i32
    %add3A_9 = arith.addi %mul3A_2, %add3A_8 : i32
    %run_scoped3A = arith.constant 0 : i32
    "tpu.region"() ({
      %run_scoped3A_44 = tpu.sem_alloc : memref<!tpu.dma_semaphore, #tpu.memory_space<semaphore_mem>>
      %dma_start3A_45 = arith.constant 0 : i32
      %dma_start3A_46 = tpu.memref_slice %arg5[%run_scoped3A, %dma_start3A_45] : memref<3x128xi32, #tpu.memory_space<vmem>> -> memref<1x128xi32, #tpu.memory_space<vmem>>
      %dma_start3A_47 = tpu.memref_squeeze %dma_start3A_46 : memref<1x128xi32, #tpu.memory_space<vmem>> -> memref<128xi32, #tpu.memory_space<vmem>>
      %dma_start3A_48 = arith.constant 0 : i32
      %dma_start3A_49 = tpu.memref_slice %arg3[%add3A_9, %dma_start3A_48] : memref<20000x128xi32, #tpu.memory_space<hbm>> -> memref<1x128xi32, #tpu.memory_space<hbm>>
      %dma_start3A_50 = tpu.memref_squeeze %dma_start3A_49 : memref<1x128xi32, #tpu.memory_space<hbm>> -> memref<128xi32, #tpu.memory_space<hbm>>
      %dma_start3A_51 = arith.constant 0 : i32
      %dma_start3A_52 = tpu.memref_slice %arg5[%run_scoped3A, %dma_start3A_51] : memref<3x128xi32, #tpu.memory_space<vmem>> -> memref<1x128xi32, #tpu.memory_space<vmem>>
      %dma_start3A_53 = tpu.memref_squeeze %dma_start3A_52 : memref<1x128xi32, #tpu.memory_space<vmem>> -> memref<128xi32, #tpu.memory_space<vmem>>
      %dma_start3A_54 = arith.constant 0 : i32
      %dma_start3A_55 = tpu.memref_slice %arg3[%add3A_9, %dma_start3A_54] : memref<20000x128xi32, #tpu.memory_space<hbm>> -> memref<1x128xi32, #tpu.memory_space<hbm>>
      %dma_start3A_56 = tpu.memref_squeeze %dma_start3A_55 : memref<1x128xi32, #tpu.memory_space<hbm>> -> memref<128xi32, #tpu.memory_space<hbm>>
      tpu.enqueue_dma source(%dma_start3A_56 : memref<128xi32, #tpu.memory_space<hbm>>) target(%dma_start3A_53 : memref<128xi32, #tpu.memory_space<vmem>>) target_semaphore(%run_scoped3A_44 : memref<!tpu.dma_semaphore, #tpu.memory_space<semaphore_mem>>)
      %dma_wait3A_57 = arith.constant 0 : i32
      %dma_wait3A_58 = tpu.memref_slice %arg5[%run_scoped3A, %dma_wait3A_57] : memref<3x128xi32, #tpu.memory_space<vmem>> -> memref<1x128xi32, #tpu.memory_space<vmem>>
      %dma_wait3A_59 = tpu.memref_squeeze %dma_wait3A_58 : memref<1x128xi32, #tpu.memory_space<vmem>> -> memref<128xi32, #tpu.memory_space<vmem>>
      %dma_wait3A_60 = arith.constant 0 : i32
      %dma_wait3A_61 = tpu.memref_slice %arg3[%add3A_9, %dma_wait3A_60] : memref<20000x128xi32, #tpu.memory_space<hbm>> -> memref<1x128xi32, #tpu.memory_space<hbm>>
      %dma_wait3A_62 = tpu.memref_squeeze %dma_wait3A_61 : memref<1x128xi32, #tpu.memory_space<hbm>> -> memref<128xi32, #tpu.memory_space<hbm>>
      %dma_wait3A_63 = arith.constant 0 : i32
      %dma_wait3A_64 = tpu.memref_slice %arg5[%run_scoped3A, %dma_wait3A_63] : memref<3x128xi32, #tpu.memory_space<vmem>> -> memref<1x128xi32, #tpu.memory_space<vmem>>
      %dma_wait3A_65 = tpu.memref_squeeze %dma_wait3A_64 : memref<1x128xi32, #tpu.memory_space<vmem>> -> memref<128xi32, #tpu.memory_space<vmem>>
      %dma_wait3A_66 = arith.constant 0 : i32
      %dma_wait3A_67 = tpu.memref_slice %arg3[%add3A_9, %dma_wait3A_66] : memref<20000x128xi32, #tpu.memory_space<hbm>> -> memref<1x128xi32, #tpu.memory_space<hbm>>
      %dma_wait3A_68 = tpu.memref_squeeze %dma_wait3A_67 : memref<1x128xi32, #tpu.memory_space<hbm>> -> memref<128xi32, #tpu.memory_space<hbm>>
      tpu.wait_dma2 semaphore(%run_scoped3A_44 : memref<!tpu.dma_semaphore, #tpu.memory_space<semaphore_mem>>) src(%dma_wait3A_68 : memref<128xi32, #tpu.memory_space<hbm>>) dst(%dma_wait3A_65 : memref<128xi32, #tpu.memory_space<vmem>>)
      tpu.yield
    }) : () -> ()
    %dma_wait3A = arith.constant 0 : i32
    %dma_wait3A_10 = arith.constant 0 : i32
    %dma_wait3A_11 = tpu.memref_slice %arg4[%dma_wait3A, %dma_wait3A_10] : memref<2560000x128xf32, #tpu.memory_space<hbm>> -> memref<384x128xf32, #tpu.memory_space<hbm>>
    %dma_wait3A_12 = arith.constant 0 : i32
    %dma_wait3A_13 = arith.constant 0 : i32
    %dma_wait3A_14 = tpu.memref_slice %arg4[%dma_wait3A_12, %dma_wait3A_13] : memref<2560000x128xf32, #tpu.memory_space<hbm>> -> memref<384x128xf32, #tpu.memory_space<hbm>>
    tpu.wait_dma2 semaphore(%arg11 : memref<!tpu.dma_semaphore, #tpu.memory_space<semaphore_mem>>) src(%dma_wait3A_14 : memref<384x128xf32, #tpu.memory_space<hbm>>) dst(%arg7 : memref<384x128xf32, #tpu.memory_space<vmem>>)
    %dma_start3A = arith.constant 0 : i32
    %dma_start3A_15 = arith.constant 0 : i32
    %dma_start3A_16 = arith.constant 0 : i32
    %dma_start3A_17 = tpu.memref_slice %arg7[%dma_start3A_15, %dma_start3A_16] : memref<384x128xf32, #tpu.memory_space<vmem>> -> memref<128x128xf32, #tpu.memory_space<vmem>>
    %dma_start3A_18 = arith.constant 0 : i32
    %dma_start3A_19 = tpu.memref_slice %arg5[%dma_start3A, %dma_start3A_18] : memref<3x128xi32, #tpu.memory_space<vmem>> -> memref<1x128xi32, #tpu.memory_space<vmem>>
    %dma_start3A_20 = tpu.memref_squeeze %dma_start3A_19 : memref<1x128xi32, #tpu.memory_space<vmem>> -> memref<128xi32, #tpu.memory_space<vmem>>
    %dma_start3A_21 = arith.constant 0 : i32
    %dma_start3A_22 = arith.constant 0 : i32
    %dma_start3A_23 = tpu.memref_slice %arg2[%dma_start3A_21, %dma_start3A_22] : memref<128000x128xf32, #tpu.memory_space<hbm>> -> memref<128000x128xf32, #tpu.memory_space<hbm>>
    tpu.enqueue_indirect_dma source(%dma_start3A_23 : memref<128000x128xf32, #tpu.memory_space<hbm>>) target(%dma_start3A_17 : memref<128x128xf32, #tpu.memory_space<vmem>>) offsets(%dma_start3A_20 : memref<128xi32, #tpu.memory_space<vmem>>) semaphore(%arg9 : memref<!tpu.dma_semaphore, #tpu.memory_space<semaphore_mem>>)
    %dma_wait3A_24 = arith.constant 0 : i32
    %dma_wait3A_25 = arith.constant 0 : i32
    %dma_wait3A_26 = tpu.memref_slice %arg7[%dma_wait3A_24, %dma_wait3A_25] : memref<384x128xf32, #tpu.memory_space<vmem>> -> memref<128x128xf32, #tpu.memory_space<vmem>>
    %dma_wait3A_27 = arith.constant 0 : i32
    %dma_wait3A_28 = arith.constant 0 : i32
    %dma_wait3A_29 = tpu.memref_slice %arg4[%dma_wait3A_27, %dma_wait3A_28] : memref<2560000x128xf32, #tpu.memory_space<hbm>> -> memref<128x128xf32, #tpu.memory_space<hbm>>
    %dma_wait3A_30 = arith.constant 0 : i32
    %dma_wait3A_31 = arith.constant 0 : i32
    %dma_wait3A_32 = tpu.memref_slice %arg7[%dma_wait3A_30, %dma_wait3A_31] : memref<384x128xf32, #tpu.memory_space<vmem>> -> memref<128x128xf32, #tpu.memory_space<vmem>>
    %dma_wait3A_33 = arith.constant 0 : i32
    %dma_wait3A_34 = arith.constant 0 : i32
    %dma_wait3A_35 = tpu.memref_slice %arg4[%dma_wait3A_33, %dma_wait3A_34] : memref<2560000x128xf32, #tpu.memory_space<hbm>> -> memref<128x128xf32, #tpu.memory_space<hbm>>
    tpu.wait_dma2 semaphore(%arg9 : memref<!tpu.dma_semaphore, #tpu.memory_space<semaphore_mem>>) src(%dma_wait3A_35 : memref<128x128xf32, #tpu.memory_space<hbm>>) dst(%dma_wait3A_32 : memref<128x128xf32, #tpu.memory_space<vmem>>)
    %mul3A_36 = arith.constant 128 : i32
    %mul3A_37 = arith.muli %add3A_9, %mul3A_36 : i32
    "tpu.region"() ({
      %run_scoped3A_44 = tpu.sem_alloc : memref<!tpu.dma_semaphore, #tpu.memory_space<semaphore_mem>>
      %dma_start3A_45 = arith.constant 0 : i32
      %dma_start3A_46 = arith.constant 0 : i32
      %dma_start3A_47 = tpu.memref_slice %arg7[%dma_start3A_45, %dma_start3A_46] : memref<384x128xf32, #tpu.memory_space<vmem>> -> memref<128x128xf32, #tpu.memory_space<vmem>>
      %dma_start3A_48 = arith.constant 0 : i32
      %dma_start3A_49 = tpu.memref_slice %arg4[%mul3A_37, %dma_start3A_48] : memref<2560000x128xf32, #tpu.memory_space<hbm>> -> memref<128x128xf32, #tpu.memory_space<hbm>>
      %dma_start3A_50 = arith.constant 0 : i32
      %dma_start3A_51 = tpu.memref_slice %arg4[%mul3A_37, %dma_start3A_50] : memref<2560000x128xf32, #tpu.memory_space<hbm>> -> memref<128x128xf32, #tpu.memory_space<hbm>>
      %dma_start3A_52 = arith.constant 0 : i32
      %dma_start3A_53 = arith.constant 0 : i32
      %dma_start3A_54 = tpu.memref_slice %arg7[%dma_start3A_52, %dma_start3A_53] : memref<384x128xf32, #tpu.memory_space<vmem>> -> memref<128x128xf32, #tpu.memory_space<vmem>>
      tpu.enqueue_dma source(%dma_start3A_54 : memref<128x128xf32, #tpu.memory_space<vmem>>) target(%dma_start3A_51 : memref<128x128xf32, #tpu.memory_space<hbm>>) target_semaphore(%run_scoped3A_44 : memref<!tpu.dma_semaphore, #tpu.memory_space<semaphore_mem>>)
      %dma_wait3A_55 = arith.constant 0 : i32
      %dma_wait3A_56 = arith.constant 0 : i32
      %dma_wait3A_57 = tpu.memref_slice %arg7[%dma_wait3A_55, %dma_wait3A_56] : memref<384x128xf32, #tpu.memory_space<vmem>> -> memref<128x128xf32, #tpu.memory_space<vmem>>
      %dma_wait3A_58 = arith.constant 0 : i32
      %dma_wait3A_59 = tpu.memref_slice %arg4[%mul3A_37, %dma_wait3A_58] : memref<2560000x128xf32, #tpu.memory_space<hbm>> -> memref<128x128xf32, #tpu.memory_space<hbm>>
      %dma_wait3A_60 = arith.constant 0 : i32
      %dma_wait3A_61 = tpu.memref_slice %arg4[%mul3A_37, %dma_wait3A_60] : memref<2560000x128xf32, #tpu.memory_space<hbm>> -> memref<128x128xf32, #tpu.memory_space<hbm>>
      %dma_wait3A_62 = arith.constant 0 : i32
      %dma_wait3A_63 = arith.constant 0 : i32
      %dma_wait3A_64 = tpu.memref_slice %arg7[%dma_wait3A_62, %dma_wait3A_63] : memref<384x128xf32, #tpu.memory_space<vmem>> -> memref<128x128xf32, #tpu.memory_space<vmem>>
      tpu.wait_dma2 semaphore(%run_scoped3A_44 : memref<!tpu.dma_semaphore, #tpu.memory_space<semaphore_mem>>) src(%dma_wait3A_64 : memref<128x128xf32, #tpu.memory_space<vmem>>) dst(%dma_wait3A_61 : memref<128x128xf32, #tpu.memory_space<hbm>>)
      tpu.yield
    }) : () -> ()
    %dma_wait3A_38 = arith.constant 0 : i32
    %dma_wait3A_39 = arith.constant 0 : i32
    %dma_wait3A_40 = tpu.memref_slice %arg4[%dma_wait3A_38, %dma_wait3A_39] : memref<2560000x128xf32, #tpu.memory_space<hbm>> -> memref<384x128xf32, #tpu.memory_space<hbm>>
    %dma_wait3A_41 = arith.constant 0 : i32
    %dma_wait3A_42 = arith.constant 0 : i32
    %dma_wait3A_43 = tpu.memref_slice %arg4[%dma_wait3A_41, %dma_wait3A_42] : memref<2560000x128xf32, #tpu.memory_space<hbm>> -> memref<384x128xf32, #tpu.memory_space<hbm>>
    tpu.wait_dma2 semaphore(%arg12 : memref<!tpu.dma_semaphore, #tpu.memory_space<semaphore_mem>>) src(%dma_wait3A_43 : memref<384x128xf32, #tpu.memory_space<hbm>>) dst(%arg8 : memref<384x128xf32, #tpu.memory_space<vmem>>)
    return
  }
}

module attributes {stable_mosaic.version = 14 : i64} {
  func.func @_topk_body(%arg0: memref<1000x64xf32, #tpu.memory_space<vmem>>, %arg1: memref<64x1000xf32, #tpu.memory_space<vmem>>, %arg2: memref<1000x20xi32, #tpu.memory_space<vmem>>, %arg3: memref<1000x1000xf32, #tpu.memory_space<vmem>>) attributes {dimension_semantics = [], scalar_prefetch = 0 : i64, scratch_operands = 1 : i64, tpu.core_type = #tpu.core_type<tc>} {
    %get3A = arith.constant 0 : index
    %get3A_0 = arith.constant 0 : index
    %get3A_1 = vector.load %arg0[%get3A, %get3A_0] : memref<1000x64xf32, #tpu.memory_space<vmem>>, vector<1000x64xf32>
    %get3A_2 = arith.constant 0 : index
    %get3A_3 = arith.constant 0 : index
    %get3A_4 = vector.load %arg1[%get3A_2, %get3A_3] : memref<64x1000xf32, #tpu.memory_space<vmem>>, vector<64x1000xf32>
    %mul3A = arith.mulf %get3A_1, %get3A_1 : vector<1000x64xf32>
    %reduce_sum3A = arith.constant dense<0.000000e+00> : vector<1000xf32>
    %reduce_sum3A_5 = vector.multi_reduction <add>, %mul3A, %reduce_sum3A [1] : vector<1000x64xf32> to vector<1000xf32>
    %broadcast_in_dim3A = vector.shape_cast %reduce_sum3A_5 : vector<1000xf32> to vector<1000x1xf32>
    %sqrt3A = math.sqrt %broadcast_in_dim3A : vector<1000x1xf32>
    %mul3A_6 = arith.mulf %get3A_4, %get3A_4 : vector<64x1000xf32>
    %reduce_sum3A_7 = arith.constant dense<0.000000e+00> : vector<1000xf32>
    %reduce_sum3A_8 = vector.multi_reduction <add>, %mul3A_6, %reduce_sum3A_7 [0] : vector<64x1000xf32> to vector<1000xf32>
    %broadcast_in_dim3A_9 = vector.shape_cast %reduce_sum3A_8 : vector<1000xf32> to vector<1x1000xf32>
    %sqrt3A_10 = math.sqrt %broadcast_in_dim3A_9 : vector<1x1000xf32>
    %dot_general3A = arith.constant dense<0.000000e+00> : vector<1000x1000xf32>
    %dot_general3A_11 = tpu.matmul %get3A_1, %get3A_4, %dot_general3A {dimension_numbers = #tpu.dot_dimension_numbers<[1], [0], [0], [1], [0, 0, 1, 1], [], []>, transpose_lhs_hint = false} : vector<1000x64xf32>, vector<64x1000xf32>, vector<1000x1000xf32> -> vector<1000x1000xf32>
    %mul3A_12 = vector.broadcast %sqrt3A : vector<1000x1xf32> to vector<1000x1000xf32>
    %mul3A_13 = vector.broadcast %sqrt3A_10 : vector<1x1000xf32> to vector<1000x1000xf32>
    %mul3A_14 = arith.mulf %mul3A_12, %mul3A_13 : vector<1000x1000xf32>
    %div3A = arith.divf %dot_general3A_11, %mul3A_14 : vector<1000x1000xf32>
    %swap3A = arith.constant 0 : index
    %swap3A_15 = arith.constant 0 : index
    %swap3A_16 = vector.load %arg3[%swap3A, %swap3A_15] : memref<1000x1000xf32, #tpu.memory_space<vmem>>, vector<1000x1000xf32>
    tpu.vector_store %arg3[%swap3A, %swap3A_15], %div3A {strides = array<i32>} : memref<1000x1000xf32, #tpu.memory_space<vmem>>, vector<1000x1000xf32>,
    %iota3A = tpu.iota {dimensions = array<i32: 1>} : vector<1000x1000xi32>
    %get3A_17 = arith.constant 0 : index
    %get3A_18 = arith.constant 0 : index
    %get3A_19 = vector.load %arg3[%get3A_17, %get3A_18] : memref<1000x1000xf32, #tpu.memory_space<vmem>>, vector<1000x1000xf32>
    %reduce_max3A = arith.constant dense<0xFF800000> : vector<1000xf32>
    %reduce_max3A_20 = vector.multi_reduction <maximumf>, %get3A_19, %reduce_max3A [1] : vector<1000x1000xf32> to vector<1000xf32>
    %broadcast_in_dim3A_21 = vector.shape_cast %reduce_max3A_20 : vector<1000xf32> to vector<1000x1xf32>
    %eq3A = vector.broadcast %broadcast_in_dim3A_21 : vector<1000x1xf32> to vector<1000x1000xf32>
    %eq3A_22 = arith.cmpf oeq, %get3A_19, %eq3A : vector<1000x1000xf32>
    %jit3A = arith.constant 1000 : i32
    %broadcast_in_dim3A_23 = vector.broadcast %jit3A : i32 to vector<1000x1000xi32>
    %select_n3A = arith.select %eq3A_22, %iota3A, %broadcast_in_dim3A_23 : vector<1000x1000xi1>, vector<1000x1000xi32>
    %reduce_min3A = arith.constant dense<2147483647> : vector<1000xi32>
    %reduce_min3A_24 = vector.multi_reduction <minsi>, %select_n3A, %reduce_min3A [1] : vector<1000x1000xi32> to vector<1000xi32>
    %broadcast_in_dim3A_25 = vector.shape_cast %reduce_min3A_24 : vector<1000xi32> to vector<1000x1xi32>
    %eq3A_26 = vector.broadcast %broadcast_in_dim3A_25 : vector<1000x1xi32> to vector<1000x1000xi32>
    %eq3A_27 = arith.cmpi eq, %iota3A, %eq3A_26 : vector<1000x1000xi32>
    %jit3A_28 = arith.constant -3.400000e+38 : f32
    %broadcast_in_dim3A_29 = vector.broadcast %jit3A_28 : f32 to vector<1000x1000xf32>
    %select_n3A_30 = arith.select %eq3A_27, %broadcast_in_dim3A_29, %get3A_19 : vector<1000x1000xi1>, vector<1000x1000xf32>
    %swap3A_31 = arith.constant 0 : index
    %swap3A_32 = arith.constant 0 : index
    %swap3A_33 = vector.load %arg3[%swap3A_31, %swap3A_32] : memref<1000x1000xf32, #tpu.memory_space<vmem>>, vector<1000x1000xf32>
    tpu.vector_store %arg3[%swap3A_31, %swap3A_32], %select_n3A_30 {strides = array<i32>} : memref<1000x1000xf32, #tpu.memory_space<vmem>>, vector<1000x1000xf32>,
    %get3A_34 = arith.constant 0 : index
    %get3A_35 = arith.constant 0 : index
    %get3A_36 = vector.load %arg3[%get3A_34, %get3A_35] : memref<1000x1000xf32, #tpu.memory_space<vmem>>, vector<1000x1000xf32>
    %reduce_max3A_37 = arith.constant dense<0xFF800000> : vector<1000xf32>
    %reduce_max3A_38 = vector.multi_reduction <maximumf>, %get3A_36, %reduce_max3A_37 [1] : vector<1000x1000xf32> to vector<1000xf32>
    %broadcast_in_dim3A_39 = vector.shape_cast %reduce_max3A_38 : vector<1000xf32> to vector<1000x1xf32>
    %eq3A_40 = vector.broadcast %broadcast_in_dim3A_39 : vector<1000x1xf32> to vector<1000x1000xf32>
    %eq3A_41 = arith.cmpf oeq, %get3A_36, %eq3A_40 : vector<1000x1000xf32>
    %jit3A_42 = arith.constant 1000 : i32
    %broadcast_in_dim3A_43 = vector.broadcast %jit3A_42 : i32 to vector<1000x1000xi32>
    %select_n3A_44 = arith.select %eq3A_41, %iota3A, %broadcast_in_dim3A_43 : vector<1000x1000xi1>, vector<1000x1000xi32>
    %reduce_min3A_45 = arith.constant dense<2147483647> : vector<1000xi32>
    %reduce_min3A_46 = vector.multi_reduction <minsi>, %select_n3A_44, %reduce_min3A_45 [1] : vector<1000x1000xi32> to vector<1000xi32>
    %broadcast_in_dim3A_47 = vector.shape_cast %reduce_min3A_46 : vector<1000xi32> to vector<1000x1xi32>
    %eq3A_48 = vector.broadcast %broadcast_in_dim3A_47 : vector<1000x1xi32> to vector<1000x1000xi32>
    %eq3A_49 = arith.cmpi eq, %iota3A, %eq3A_48 : vector<1000x1000xi32>
    %jit3A_50 = arith.constant -3.400000e+38 : f32
    %broadcast_in_dim3A_51 = vector.broadcast %jit3A_50 : f32 to vector<1000x1000xf32>
    %select_n3A_52 = arith.select %eq3A_49, %broadcast_in_dim3A_51, %get3A_36 : vector<1000x1000xi1>, vector<1000x1000xf32>
    %swap3A_53 = arith.constant 0 : index
    %swap3A_54 = arith.constant 0 : index
    %swap3A_55 = vector.load %arg3[%swap3A_53, %swap3A_54] : memref<1000x1000xf32, #tpu.memory_space<vmem>>, vector<1000x1000xf32>
    tpu.vector_store %arg3[%swap3A_53, %swap3A_54], %select_n3A_52 {strides = array<i32>} : memref<1000x1000xf32, #tpu.memory_space<vmem>>, vector<1000x1000xf32>,
    %get3A_56 = arith.constant 0 : index
    %get3A_57 = arith.constant 0 : index
    %get3A_58 = vector.load %arg3[%get3A_56, %get3A_57] : memref<1000x1000xf32, #tpu.memory_space<vmem>>, vector<1000x1000xf32>
    %reduce_max3A_59 = arith.constant dense<0xFF800000> : vector<1000xf32>
    %reduce_max3A_60 = vector.multi_reduction <maximumf>, %get3A_58, %reduce_max3A_59 [1] : vector<1000x1000xf32> to vector<1000xf32>
    %broadcast_in_dim3A_61 = vector.shape_cast %reduce_max3A_60 : vector<1000xf32> to vector<1000x1xf32>
    %eq3A_62 = vector.broadcast %broadcast_in_dim3A_61 : vector<1000x1xf32> to vector<1000x1000xf32>
    %eq3A_63 = arith.cmpf oeq, %get3A_58, %eq3A_62 : vector<1000x1000xf32>
    %jit3A_64 = arith.constant 1000 : i32
    %broadcast_in_dim3A_65 = vector.broadcast %jit3A_64 : i32 to vector<1000x1000xi32>
    %select_n3A_66 = arith.select %eq3A_63, %iota3A, %broadcast_in_dim3A_65 : vector<1000x1000xi1>, vector<1000x1000xi32>
    %reduce_min3A_67 = arith.constant dense<2147483647> : vector<1000xi32>
    %reduce_min3A_68 = vector.multi_reduction <minsi>, %select_n3A_66, %reduce_min3A_67 [1] : vector<1000x1000xi32> to vector<1000xi32>
    %broadcast_in_dim3A_69 = vector.shape_cast %reduce_min3A_68 : vector<1000xi32> to vector<1000x1xi32>
    %eq3A_70 = vector.broadcast %broadcast_in_dim3A_69 : vector<1000x1xi32> to vector<1000x1000xi32>
    %eq3A_71 = arith.cmpi eq, %iota3A, %eq3A_70 : vector<1000x1000xi32>
    %jit3A_72 = arith.constant -3.400000e+38 : f32
    %broadcast_in_dim3A_73 = vector.broadcast %jit3A_72 : f32 to vector<1000x1000xf32>
    %select_n3A_74 = arith.select %eq3A_71, %broadcast_in_dim3A_73, %get3A_58 : vector<1000x1000xi1>, vector<1000x1000xf32>
    %swap3A_75 = arith.constant 0 : index
    %swap3A_76 = arith.constant 0 : index
    %swap3A_77 = vector.load %arg3[%swap3A_75, %swap3A_76] : memref<1000x1000xf32, #tpu.memory_space<vmem>>, vector<1000x1000xf32>
    tpu.vector_store %arg3[%swap3A_75, %swap3A_76], %select_n3A_74 {strides = array<i32>} : memref<1000x1000xf32, #tpu.memory_space<vmem>>, vector<1000x1000xf32>,
    %get3A_78 = arith.constant 0 : index
    %get3A_79 = arith.constant 0 : index
    %get3A_80 = vector.load %arg3[%get3A_78, %get3A_79] : memref<1000x1000xf32, #tpu.memory_space<vmem>>, vector<1000x1000xf32>
    %reduce_max3A_81 = arith.constant dense<0xFF800000> : vector<1000xf32>
    %reduce_max3A_82 = vector.multi_reduction <maximumf>, %get3A_80, %reduce_max3A_81 [1] : vector<1000x1000xf32> to vector<1000xf32>
    %broadcast_in_dim3A_83 = vector.shape_cast %reduce_max3A_82 : vector<1000xf32> to vector<1000x1xf32>
    %eq3A_84 = vector.broadcast %broadcast_in_dim3A_83 : vector<1000x1xf32> to vector<1000x1000xf32>
    %eq3A_85 = arith.cmpf oeq, %get3A_80, %eq3A_84 : vector<1000x1000xf32>
    %jit3A_86 = arith.constant 1000 : i32
    %broadcast_in_dim3A_87 = vector.broadcast %jit3A_86 : i32 to vector<1000x1000xi32>
    %select_n3A_88 = arith.select %eq3A_85, %iota3A, %broadcast_in_dim3A_87 : vector<1000x1000xi1>, vector<1000x1000xi32>
    %reduce_min3A_89 = arith.constant dense<2147483647> : vector<1000xi32>
    %reduce_min3A_90 = vector.multi_reduction <minsi>, %select_n3A_88, %reduce_min3A_89 [1] : vector<1000x1000xi32> to vector<1000xi32>
    %broadcast_in_dim3A_91 = vector.shape_cast %reduce_min3A_90 : vector<1000xi32> to vector<1000x1xi32>
    %eq3A_92 = vector.broadcast %broadcast_in_dim3A_91 : vector<1000x1xi32> to vector<1000x1000xi32>
    %eq3A_93 = arith.cmpi eq, %iota3A, %eq3A_92 : vector<1000x1000xi32>
    %jit3A_94 = arith.constant -3.400000e+38 : f32
    %broadcast_in_dim3A_95 = vector.broadcast %jit3A_94 : f32 to vector<1000x1000xf32>
    %select_n3A_96 = arith.select %eq3A_93, %broadcast_in_dim3A_95, %get3A_80 : vector<1000x1000xi1>, vector<1000x1000xf32>
    %swap3A_97 = arith.constant 0 : index
    %swap3A_98 = arith.constant 0 : index
    %swap3A_99 = vector.load %arg3[%swap3A_97, %swap3A_98] : memref<1000x1000xf32, #tpu.memory_space<vmem>>, vector<1000x1000xf32>
    tpu.vector_store %arg3[%swap3A_97, %swap3A_98], %select_n3A_96 {strides = array<i32>} : memref<1000x1000xf32, #tpu.memory_space<vmem>>, vector<1000x1000xf32>,
    %get3A_100 = arith.constant 0 : index
    %get3A_101 = arith.constant 0 : index
    %get3A_102 = vector.load %arg3[%get3A_100, %get3A_101] : memref<1000x1000xf32, #tpu.memory_space<vmem>>, vector<1000x1000xf32>
    %reduce_max3A_103 = arith.constant dense<0xFF800000> : vector<1000xf32>
    %reduce_max3A_104 = vector.multi_reduction <maximumf>, %get3A_102, %reduce_max3A_103 [1] : vector<1000x1000xf32> to vector<1000xf32>
    %broadcast_in_dim3A_105 = vector.shape_cast %reduce_max3A_104 : vector<1000xf32> to vector<1000x1xf32>
    %eq3A_106 = vector.broadcast %broadcast_in_dim3A_105 : vector<1000x1xf32> to vector<1000x1000xf32>
    %eq3A_107 = arith.cmpf oeq, %get3A_102, %eq3A_106 : vector<1000x1000xf32>
    %jit3A_108 = arith.constant 1000 : i32
    %broadcast_in_dim3A_109 = vector.broadcast %jit3A_108 : i32 to vector<1000x1000xi32>
    %select_n3A_110 = arith.select %eq3A_107, %iota3A, %broadcast_in_dim3A_109 : vector<1000x1000xi1>, vector<1000x1000xi32>
    %reduce_min3A_111 = arith.constant dense<2147483647> : vector<1000xi32>
    %reduce_min3A_112 = vector.multi_reduction <minsi>, %select_n3A_110, %reduce_min3A_111 [1] : vector<1000x1000xi32> to vector<1000xi32>
    %broadcast_in_dim3A_113 = vector.shape_cast %reduce_min3A_112 : vector<1000xi32> to vector<1000x1xi32>
    %eq3A_114 = vector.broadcast %broadcast_in_dim3A_113 : vector<1000x1xi32> to vector<1000x1000xi32>
    %eq3A_115 = arith.cmpi eq, %iota3A, %eq3A_114 : vector<1000x1000xi32>
    %jit3A_116 = arith.constant -3.400000e+38 : f32
    %broadcast_in_dim3A_117 = vector.broadcast %jit3A_116 : f32 to vector<1000x1000xf32>
    %select_n3A_118 = arith.select %eq3A_115, %broadcast_in_dim3A_117, %get3A_102 : vector<1000x1000xi1>, vector<1000x1000xf32>
    %swap3A_119 = arith.constant 0 : index
    %swap3A_120 = arith.constant 0 : index
    %swap3A_121 = vector.load %arg3[%swap3A_119, %swap3A_120] : memref<1000x1000xf32, #tpu.memory_space<vmem>>, vector<1000x1000xf32>
    tpu.vector_store %arg3[%swap3A_119, %swap3A_120], %select_n3A_118 {strides = array<i32>} : memref<1000x1000xf32, #tpu.memory_space<vmem>>, vector<1000x1000xf32>,
    %get3A_122 = arith.constant 0 : index
    %get3A_123 = arith.constant 0 : index
    %get3A_124 = vector.load %arg3[%get3A_122, %get3A_123] : memref<1000x1000xf32, #tpu.memory_space<vmem>>, vector<1000x1000xf32>
    %reduce_max3A_125 = arith.constant dense<0xFF800000> : vector<1000xf32>
    %reduce_max3A_126 = vector.multi_reduction <maximumf>, %get3A_124, %reduce_max3A_125 [1] : vector<1000x1000xf32> to vector<1000xf32>
    %broadcast_in_dim3A_127 = vector.shape_cast %reduce_max3A_126 : vector<1000xf32> to vector<1000x1xf32>
    %eq3A_128 = vector.broadcast %broadcast_in_dim3A_127 : vector<1000x1xf32> to vector<1000x1000xf32>
    %eq3A_129 = arith.cmpf oeq, %get3A_124, %eq3A_128 : vector<1000x1000xf32>
    %jit3A_130 = arith.constant 1000 : i32
    %broadcast_in_dim3A_131 = vector.broadcast %jit3A_130 : i32 to vector<1000x1000xi32>
    %select_n3A_132 = arith.select %eq3A_129, %iota3A, %broadcast_in_dim3A_131 : vector<1000x1000xi1>, vector<1000x1000xi32>
    %reduce_min3A_133 = arith.constant dense<2147483647> : vector<1000xi32>
    %reduce_min3A_134 = vector.multi_reduction <minsi>, %select_n3A_132, %reduce_min3A_133 [1] : vector<1000x1000xi32> to vector<1000xi32>
    %broadcast_in_dim3A_135 = vector.shape_cast %reduce_min3A_134 : vector<1000xi32> to vector<1000x1xi32>
    %eq3A_136 = vector.broadcast %broadcast_in_dim3A_135 : vector<1000x1xi32> to vector<1000x1000xi32>
    %eq3A_137 = arith.cmpi eq, %iota3A, %eq3A_136 : vector<1000x1000xi32>
    %jit3A_138 = arith.constant -3.400000e+38 : f32
    %broadcast_in_dim3A_139 = vector.broadcast %jit3A_138 : f32 to vector<1000x1000xf32>
    %select_n3A_140 = arith.select %eq3A_137, %broadcast_in_dim3A_139, %get3A_124 : vector<1000x1000xi1>, vector<1000x1000xf32>
    %swap3A_141 = arith.constant 0 : index
    %swap3A_142 = arith.constant 0 : index
    %swap3A_143 = vector.load %arg3[%swap3A_141, %swap3A_142] : memref<1000x1000xf32, #tpu.memory_space<vmem>>, vector<1000x1000xf32>
    tpu.vector_store %arg3[%swap3A_141, %swap3A_142], %select_n3A_140 {strides = array<i32>} : memref<1000x1000xf32, #tpu.memory_space<vmem>>, vector<1000x1000xf32>,
    %get3A_144 = arith.constant 0 : index
    %get3A_145 = arith.constant 0 : index
    %get3A_146 = vector.load %arg3[%get3A_144, %get3A_145] : memref<1000x1000xf32, #tpu.memory_space<vmem>>, vector<1000x1000xf32>
    %reduce_max3A_147 = arith.constant dense<0xFF800000> : vector<1000xf32>
    %reduce_max3A_148 = vector.multi_reduction <maximumf>, %get3A_146, %reduce_max3A_147 [1] : vector<1000x1000xf32> to vector<1000xf32>
    %broadcast_in_dim3A_149 = vector.shape_cast %reduce_max3A_148 : vector<1000xf32> to vector<1000x1xf32>
    %eq3A_150 = vector.broadcast %broadcast_in_dim3A_149 : vector<1000x1xf32> to vector<1000x1000xf32>
    %eq3A_151 = arith.cmpf oeq, %get3A_146, %eq3A_150 : vector<1000x1000xf32>
    %jit3A_152 = arith.constant 1000 : i32
    %broadcast_in_dim3A_153 = vector.broadcast %jit3A_152 : i32 to vector<1000x1000xi32>
    %select_n3A_154 = arith.select %eq3A_151, %iota3A, %broadcast_in_dim3A_153 : vector<1000x1000xi1>, vector<1000x1000xi32>
    %reduce_min3A_155 = arith.constant dense<2147483647> : vector<1000xi32>
    %reduce_min3A_156 = vector.multi_reduction <minsi>, %select_n3A_154, %reduce_min3A_155 [1] : vector<1000x1000xi32> to vector<1000xi32>
    %broadcast_in_dim3A_157 = vector.shape_cast %reduce_min3A_156 : vector<1000xi32> to vector<1000x1xi32>
    %eq3A_158 = vector.broadcast %broadcast_in_dim3A_157 : vector<1000x1xi32> to vector<1000x1000xi32>
    %eq3A_159 = arith.cmpi eq, %iota3A, %eq3A_158 : vector<1000x1000xi32>
    %jit3A_160 = arith.constant -3.400000e+38 : f32
    %broadcast_in_dim3A_161 = vector.broadcast %jit3A_160 : f32 to vector<1000x1000xf32>
    %select_n3A_162 = arith.select %eq3A_159, %broadcast_in_dim3A_161, %get3A_146 : vector<1000x1000xi1>, vector<1000x1000xf32>
    %swap3A_163 = arith.constant 0 : index
    %swap3A_164 = arith.constant 0 : index
    %swap3A_165 = vector.load %arg3[%swap3A_163, %swap3A_164] : memref<1000x1000xf32, #tpu.memory_space<vmem>>, vector<1000x1000xf32>
    tpu.vector_store %arg3[%swap3A_163, %swap3A_164], %select_n3A_162 {strides = array<i32>} : memref<1000x1000xf32, #tpu.memory_space<vmem>>, vector<1000x1000xf32>,
    %get3A_166 = arith.constant 0 : index
    %get3A_167 = arith.constant 0 : index
    %get3A_168 = vector.load %arg3[%get3A_166, %get3A_167] : memref<1000x1000xf32, #tpu.memory_space<vmem>>, vector<1000x1000xf32>
    %reduce_max3A_169 = arith.constant dense<0xFF800000> : vector<1000xf32>
    %reduce_max3A_170 = vector.multi_reduction <maximumf>, %get3A_168, %reduce_max3A_169 [1] : vector<1000x1000xf32> to vector<1000xf32>
    %broadcast_in_dim3A_171 = vector.shape_cast %reduce_max3A_170 : vector<1000xf32> to vector<1000x1xf32>
    %eq3A_172 = vector.broadcast %broadcast_in_dim3A_171 : vector<1000x1xf32> to vector<1000x1000xf32>
    %eq3A_173 = arith.cmpf oeq, %get3A_168, %eq3A_172 : vector<1000x1000xf32>
    %jit3A_174 = arith.constant 1000 : i32
    %broadcast_in_dim3A_175 = vector.broadcast %jit3A_174 : i32 to vector<1000x1000xi32>
    %select_n3A_176 = arith.select %eq3A_173, %iota3A, %broadcast_in_dim3A_175 : vector<1000x1000xi1>, vector<1000x1000xi32>
    %reduce_min3A_177 = arith.constant dense<2147483647> : vector<1000xi32>
    %reduce_min3A_178 = vector.multi_reduction <minsi>, %select_n3A_176, %reduce_min3A_177 [1] : vector<1000x1000xi32> to vector<1000xi32>
    %broadcast_in_dim3A_179 = vector.shape_cast %reduce_min3A_178 : vector<1000xi32> to vector<1000x1xi32>
    %eq3A_180 = vector.broadcast %broadcast_in_dim3A_179 : vector<1000x1xi32> to vector<1000x1000xi32>
    %eq3A_181 = arith.cmpi eq, %iota3A, %eq3A_180 : vector<1000x1000xi32>
    %jit3A_182 = arith.constant -3.400000e+38 : f32
    %broadcast_in_dim3A_183 = vector.broadcast %jit3A_182 : f32 to vector<1000x1000xf32>
    %select_n3A_184 = arith.select %eq3A_181, %broadcast_in_dim3A_183, %get3A_168 : vector<1000x1000xi1>, vector<1000x1000xf32>
    %swap3A_185 = arith.constant 0 : index
    %swap3A_186 = arith.constant 0 : index
    %swap3A_187 = vector.load %arg3[%swap3A_185, %swap3A_186] : memref<1000x1000xf32, #tpu.memory_space<vmem>>, vector<1000x1000xf32>
    tpu.vector_store %arg3[%swap3A_185, %swap3A_186], %select_n3A_184 {strides = array<i32>} : memref<1000x1000xf32, #tpu.memory_space<vmem>>, vector<1000x1000xf32>,
    %get3A_188 = arith.constant 0 : index
    %get3A_189 = arith.constant 0 : index
    %get3A_190 = vector.load %arg3[%get3A_188, %get3A_189] : memref<1000x1000xf32, #tpu.memory_space<vmem>>, vector<1000x1000xf32>
    %reduce_max3A_191 = arith.constant dense<0xFF800000> : vector<1000xf32>
    %reduce_max3A_192 = vector.multi_reduction <maximumf>, %get3A_190, %reduce_max3A_191 [1] : vector<1000x1000xf32> to vector<1000xf32>
    %broadcast_in_dim3A_193 = vector.shape_cast %reduce_max3A_192 : vector<1000xf32> to vector<1000x1xf32>
    %eq3A_194 = vector.broadcast %broadcast_in_dim3A_193 : vector<1000x1xf32> to vector<1000x1000xf32>
    %eq3A_195 = arith.cmpf oeq, %get3A_190, %eq3A_194 : vector<1000x1000xf32>
    %jit3A_196 = arith.constant 1000 : i32
    %broadcast_in_dim3A_197 = vector.broadcast %jit3A_196 : i32 to vector<1000x1000xi32>
    %select_n3A_198 = arith.select %eq3A_195, %iota3A, %broadcast_in_dim3A_197 : vector<1000x1000xi1>, vector<1000x1000xi32>
    %reduce_min3A_199 = arith.constant dense<2147483647> : vector<1000xi32>
    %reduce_min3A_200 = vector.multi_reduction <minsi>, %select_n3A_198, %reduce_min3A_199 [1] : vector<1000x1000xi32> to vector<1000xi32>
    %broadcast_in_dim3A_201 = vector.shape_cast %reduce_min3A_200 : vector<1000xi32> to vector<1000x1xi32>
    %eq3A_202 = vector.broadcast %broadcast_in_dim3A_201 : vector<1000x1xi32> to vector<1000x1000xi32>
    %eq3A_203 = arith.cmpi eq, %iota3A, %eq3A_202 : vector<1000x1000xi32>
    %jit3A_204 = arith.constant -3.400000e+38 : f32
    %broadcast_in_dim3A_205 = vector.broadcast %jit3A_204 : f32 to vector<1000x1000xf32>
    %select_n3A_206 = arith.select %eq3A_203, %broadcast_in_dim3A_205, %get3A_190 : vector<1000x1000xi1>, vector<1000x1000xf32>
    %swap3A_207 = arith.constant 0 : index
    %swap3A_208 = arith.constant 0 : index
    %swap3A_209 = vector.load %arg3[%swap3A_207, %swap3A_208] : memref<1000x1000xf32, #tpu.memory_space<vmem>>, vector<1000x1000xf32>
    tpu.vector_store %arg3[%swap3A_207, %swap3A_208], %select_n3A_206 {strides = array<i32>} : memref<1000x1000xf32, #tpu.memory_space<vmem>>, vector<1000x1000xf32>,
    %get3A_210 = arith.constant 0 : index
    %get3A_211 = arith.constant 0 : index
    %get3A_212 = vector.load %arg3[%get3A_210, %get3A_211] : memref<1000x1000xf32, #tpu.memory_space<vmem>>, vector<1000x1000xf32>
    %reduce_max3A_213 = arith.constant dense<0xFF800000> : vector<1000xf32>
    %reduce_max3A_214 = vector.multi_reduction <maximumf>, %get3A_212, %reduce_max3A_213 [1] : vector<1000x1000xf32> to vector<1000xf32>
    %broadcast_in_dim3A_215 = vector.shape_cast %reduce_max3A_214 : vector<1000xf32> to vector<1000x1xf32>
    %eq3A_216 = vector.broadcast %broadcast_in_dim3A_215 : vector<1000x1xf32> to vector<1000x1000xf32>
    %eq3A_217 = arith.cmpf oeq, %get3A_212, %eq3A_216 : vector<1000x1000xf32>
    %jit3A_218 = arith.constant 1000 : i32
    %broadcast_in_dim3A_219 = vector.broadcast %jit3A_218 : i32 to vector<1000x1000xi32>
    %select_n3A_220 = arith.select %eq3A_217, %iota3A, %broadcast_in_dim3A_219 : vector<1000x1000xi1>, vector<1000x1000xi32>
    %reduce_min3A_221 = arith.constant dense<2147483647> : vector<1000xi32>
    %reduce_min3A_222 = vector.multi_reduction <minsi>, %select_n3A_220, %reduce_min3A_221 [1] : vector<1000x1000xi32> to vector<1000xi32>
    %broadcast_in_dim3A_223 = vector.shape_cast %reduce_min3A_222 : vector<1000xi32> to vector<1000x1xi32>
    %eq3A_224 = vector.broadcast %broadcast_in_dim3A_223 : vector<1000x1xi32> to vector<1000x1000xi32>
    %eq3A_225 = arith.cmpi eq, %iota3A, %eq3A_224 : vector<1000x1000xi32>
    %jit3A_226 = arith.constant -3.400000e+38 : f32
    %broadcast_in_dim3A_227 = vector.broadcast %jit3A_226 : f32 to vector<1000x1000xf32>
    %select_n3A_228 = arith.select %eq3A_225, %broadcast_in_dim3A_227, %get3A_212 : vector<1000x1000xi1>, vector<1000x1000xf32>
    %swap3A_229 = arith.constant 0 : index
    %swap3A_230 = arith.constant 0 : index
    %swap3A_231 = vector.load %arg3[%swap3A_229, %swap3A_230] : memref<1000x1000xf32, #tpu.memory_space<vmem>>, vector<1000x1000xf32>
    tpu.vector_store %arg3[%swap3A_229, %swap3A_230], %select_n3A_228 {strides = array<i32>} : memref<1000x1000xf32, #tpu.memory_space<vmem>>, vector<1000x1000xf32>,
    %get3A_232 = arith.constant 0 : index
    %get3A_233 = arith.constant 0 : index
    %get3A_234 = vector.load %arg3[%get3A_232, %get3A_233] : memref<1000x1000xf32, #tpu.memory_space<vmem>>, vector<1000x1000xf32>
    %reduce_max3A_235 = arith.constant dense<0xFF800000> : vector<1000xf32>
    %reduce_max3A_236 = vector.multi_reduction <maximumf>, %get3A_234, %reduce_max3A_235 [1] : vector<1000x1000xf32> to vector<1000xf32>
    %broadcast_in_dim3A_237 = vector.shape_cast %reduce_max3A_236 : vector<1000xf32> to vector<1000x1xf32>
    %eq3A_238 = vector.broadcast %broadcast_in_dim3A_237 : vector<1000x1xf32> to vector<1000x1000xf32>
    %eq3A_239 = arith.cmpf oeq, %get3A_234, %eq3A_238 : vector<1000x1000xf32>
    %jit3A_240 = arith.constant 1000 : i32
    %broadcast_in_dim3A_241 = vector.broadcast %jit3A_240 : i32 to vector<1000x1000xi32>
    %select_n3A_242 = arith.select %eq3A_239, %iota3A, %broadcast_in_dim3A_241 : vector<1000x1000xi1>, vector<1000x1000xi32>
    %reduce_min3A_243 = arith.constant dense<2147483647> : vector<1000xi32>
    %reduce_min3A_244 = vector.multi_reduction <minsi>, %select_n3A_242, %reduce_min3A_243 [1] : vector<1000x1000xi32> to vector<1000xi32>
    %broadcast_in_dim3A_245 = vector.shape_cast %reduce_min3A_244 : vector<1000xi32> to vector<1000x1xi32>
    %eq3A_246 = vector.broadcast %broadcast_in_dim3A_245 : vector<1000x1xi32> to vector<1000x1000xi32>
    %eq3A_247 = arith.cmpi eq, %iota3A, %eq3A_246 : vector<1000x1000xi32>
    %jit3A_248 = arith.constant -3.400000e+38 : f32
    %broadcast_in_dim3A_249 = vector.broadcast %jit3A_248 : f32 to vector<1000x1000xf32>
    %select_n3A_250 = arith.select %eq3A_247, %broadcast_in_dim3A_249, %get3A_234 : vector<1000x1000xi1>, vector<1000x1000xf32>
    %swap3A_251 = arith.constant 0 : index
    %swap3A_252 = arith.constant 0 : index
    %swap3A_253 = vector.load %arg3[%swap3A_251, %swap3A_252] : memref<1000x1000xf32, #tpu.memory_space<vmem>>, vector<1000x1000xf32>
    tpu.vector_store %arg3[%swap3A_251, %swap3A_252], %select_n3A_250 {strides = array<i32>} : memref<1000x1000xf32, #tpu.memory_space<vmem>>, vector<1000x1000xf32>,
    %get3A_254 = arith.constant 0 : index
    %get3A_255 = arith.constant 0 : index
    %get3A_256 = vector.load %arg3[%get3A_254, %get3A_255] : memref<1000x1000xf32, #tpu.memory_space<vmem>>, vector<1000x1000xf32>
    %reduce_max3A_257 = arith.constant dense<0xFF800000> : vector<1000xf32>
    %reduce_max3A_258 = vector.multi_reduction <maximumf>, %get3A_256, %reduce_max3A_257 [1] : vector<1000x1000xf32> to vector<1000xf32>
    %broadcast_in_dim3A_259 = vector.shape_cast %reduce_max3A_258 : vector<1000xf32> to vector<1000x1xf32>
    %eq3A_260 = vector.broadcast %broadcast_in_dim3A_259 : vector<1000x1xf32> to vector<1000x1000xf32>
    %eq3A_261 = arith.cmpf oeq, %get3A_256, %eq3A_260 : vector<1000x1000xf32>
    %jit3A_262 = arith.constant 1000 : i32
    %broadcast_in_dim3A_263 = vector.broadcast %jit3A_262 : i32 to vector<1000x1000xi32>
    %select_n3A_264 = arith.select %eq3A_261, %iota3A, %broadcast_in_dim3A_263 : vector<1000x1000xi1>, vector<1000x1000xi32>
    %reduce_min3A_265 = arith.constant dense<2147483647> : vector<1000xi32>
    %reduce_min3A_266 = vector.multi_reduction <minsi>, %select_n3A_264, %reduce_min3A_265 [1] : vector<1000x1000xi32> to vector<1000xi32>
    %broadcast_in_dim3A_267 = vector.shape_cast %reduce_min3A_266 : vector<1000xi32> to vector<1000x1xi32>
    %eq3A_268 = vector.broadcast %broadcast_in_dim3A_267 : vector<1000x1xi32> to vector<1000x1000xi32>
    %eq3A_269 = arith.cmpi eq, %iota3A, %eq3A_268 : vector<1000x1000xi32>
    %jit3A_270 = arith.constant -3.400000e+38 : f32
    %broadcast_in_dim3A_271 = vector.broadcast %jit3A_270 : f32 to vector<1000x1000xf32>
    %select_n3A_272 = arith.select %eq3A_269, %broadcast_in_dim3A_271, %get3A_256 : vector<1000x1000xi1>, vector<1000x1000xf32>
    %swap3A_273 = arith.constant 0 : index
    %swap3A_274 = arith.constant 0 : index
    %swap3A_275 = vector.load %arg3[%swap3A_273, %swap3A_274] : memref<1000x1000xf32, #tpu.memory_space<vmem>>, vector<1000x1000xf32>
    tpu.vector_store %arg3[%swap3A_273, %swap3A_274], %select_n3A_272 {strides = array<i32>} : memref<1000x1000xf32, #tpu.memory_space<vmem>>, vector<1000x1000xf32>,
    %get3A_276 = arith.constant 0 : index
    %get3A_277 = arith.constant 0 : index
    %get3A_278 = vector.load %arg3[%get3A_276, %get3A_277] : memref<1000x1000xf32, #tpu.memory_space<vmem>>, vector<1000x1000xf32>
    %reduce_max3A_279 = arith.constant dense<0xFF800000> : vector<1000xf32>
    %reduce_max3A_280 = vector.multi_reduction <maximumf>, %get3A_278, %reduce_max3A_279 [1] : vector<1000x1000xf32> to vector<1000xf32>
    %broadcast_in_dim3A_281 = vector.shape_cast %reduce_max3A_280 : vector<1000xf32> to vector<1000x1xf32>
    %eq3A_282 = vector.broadcast %broadcast_in_dim3A_281 : vector<1000x1xf32> to vector<1000x1000xf32>
    %eq3A_283 = arith.cmpf oeq, %get3A_278, %eq3A_282 : vector<1000x1000xf32>
    %jit3A_284 = arith.constant 1000 : i32
    %broadcast_in_dim3A_285 = vector.broadcast %jit3A_284 : i32 to vector<1000x1000xi32>
    %select_n3A_286 = arith.select %eq3A_283, %iota3A, %broadcast_in_dim3A_285 : vector<1000x1000xi1>, vector<1000x1000xi32>
    %reduce_min3A_287 = arith.constant dense<2147483647> : vector<1000xi32>
    %reduce_min3A_288 = vector.multi_reduction <minsi>, %select_n3A_286, %reduce_min3A_287 [1] : vector<1000x1000xi32> to vector<1000xi32>
    %broadcast_in_dim3A_289 = vector.shape_cast %reduce_min3A_288 : vector<1000xi32> to vector<1000x1xi32>
    %eq3A_290 = vector.broadcast %broadcast_in_dim3A_289 : vector<1000x1xi32> to vector<1000x1000xi32>
    %eq3A_291 = arith.cmpi eq, %iota3A, %eq3A_290 : vector<1000x1000xi32>
    %jit3A_292 = arith.constant -3.400000e+38 : f32
    %broadcast_in_dim3A_293 = vector.broadcast %jit3A_292 : f32 to vector<1000x1000xf32>
    %select_n3A_294 = arith.select %eq3A_291, %broadcast_in_dim3A_293, %get3A_278 : vector<1000x1000xi1>, vector<1000x1000xf32>
    %swap3A_295 = arith.constant 0 : index
    %swap3A_296 = arith.constant 0 : index
    %swap3A_297 = vector.load %arg3[%swap3A_295, %swap3A_296] : memref<1000x1000xf32, #tpu.memory_space<vmem>>, vector<1000x1000xf32>
    tpu.vector_store %arg3[%swap3A_295, %swap3A_296], %select_n3A_294 {strides = array<i32>} : memref<1000x1000xf32, #tpu.memory_space<vmem>>, vector<1000x1000xf32>,
    %get3A_298 = arith.constant 0 : index
    %get3A_299 = arith.constant 0 : index
    %get3A_300 = vector.load %arg3[%get3A_298, %get3A_299] : memref<1000x1000xf32, #tpu.memory_space<vmem>>, vector<1000x1000xf32>
    %reduce_max3A_301 = arith.constant dense<0xFF800000> : vector<1000xf32>
    %reduce_max3A_302 = vector.multi_reduction <maximumf>, %get3A_300, %reduce_max3A_301 [1] : vector<1000x1000xf32> to vector<1000xf32>
    %broadcast_in_dim3A_303 = vector.shape_cast %reduce_max3A_302 : vector<1000xf32> to vector<1000x1xf32>
    %eq3A_304 = vector.broadcast %broadcast_in_dim3A_303 : vector<1000x1xf32> to vector<1000x1000xf32>
    %eq3A_305 = arith.cmpf oeq, %get3A_300, %eq3A_304 : vector<1000x1000xf32>
    %jit3A_306 = arith.constant 1000 : i32
    %broadcast_in_dim3A_307 = vector.broadcast %jit3A_306 : i32 to vector<1000x1000xi32>
    %select_n3A_308 = arith.select %eq3A_305, %iota3A, %broadcast_in_dim3A_307 : vector<1000x1000xi1>, vector<1000x1000xi32>
    %reduce_min3A_309 = arith.constant dense<2147483647> : vector<1000xi32>
    %reduce_min3A_310 = vector.multi_reduction <minsi>, %select_n3A_308, %reduce_min3A_309 [1] : vector<1000x1000xi32> to vector<1000xi32>
    %broadcast_in_dim3A_311 = vector.shape_cast %reduce_min3A_310 : vector<1000xi32> to vector<1000x1xi32>
    %eq3A_312 = vector.broadcast %broadcast_in_dim3A_311 : vector<1000x1xi32> to vector<1000x1000xi32>
    %eq3A_313 = arith.cmpi eq, %iota3A, %eq3A_312 : vector<1000x1000xi32>
    %jit3A_314 = arith.constant -3.400000e+38 : f32
    %broadcast_in_dim3A_315 = vector.broadcast %jit3A_314 : f32 to vector<1000x1000xf32>
    %select_n3A_316 = arith.select %eq3A_313, %broadcast_in_dim3A_315, %get3A_300 : vector<1000x1000xi1>, vector<1000x1000xf32>
    %swap3A_317 = arith.constant 0 : index
    %swap3A_318 = arith.constant 0 : index
    %swap3A_319 = vector.load %arg3[%swap3A_317, %swap3A_318] : memref<1000x1000xf32, #tpu.memory_space<vmem>>, vector<1000x1000xf32>
    tpu.vector_store %arg3[%swap3A_317, %swap3A_318], %select_n3A_316 {strides = array<i32>} : memref<1000x1000xf32, #tpu.memory_space<vmem>>, vector<1000x1000xf32>,
    %get3A_320 = arith.constant 0 : index
    %get3A_321 = arith.constant 0 : index
    %get3A_322 = vector.load %arg3[%get3A_320, %get3A_321] : memref<1000x1000xf32, #tpu.memory_space<vmem>>, vector<1000x1000xf32>
    %reduce_max3A_323 = arith.constant dense<0xFF800000> : vector<1000xf32>
    %reduce_max3A_324 = vector.multi_reduction <maximumf>, %get3A_322, %reduce_max3A_323 [1] : vector<1000x1000xf32> to vector<1000xf32>
    %broadcast_in_dim3A_325 = vector.shape_cast %reduce_max3A_324 : vector<1000xf32> to vector<1000x1xf32>
    %eq3A_326 = vector.broadcast %broadcast_in_dim3A_325 : vector<1000x1xf32> to vector<1000x1000xf32>
    %eq3A_327 = arith.cmpf oeq, %get3A_322, %eq3A_326 : vector<1000x1000xf32>
    %jit3A_328 = arith.constant 1000 : i32
    %broadcast_in_dim3A_329 = vector.broadcast %jit3A_328 : i32 to vector<1000x1000xi32>
    %select_n3A_330 = arith.select %eq3A_327, %iota3A, %broadcast_in_dim3A_329 : vector<1000x1000xi1>, vector<1000x1000xi32>
    %reduce_min3A_331 = arith.constant dense<2147483647> : vector<1000xi32>
    %reduce_min3A_332 = vector.multi_reduction <minsi>, %select_n3A_330, %reduce_min3A_331 [1] : vector<1000x1000xi32> to vector<1000xi32>
    %broadcast_in_dim3A_333 = vector.shape_cast %reduce_min3A_332 : vector<1000xi32> to vector<1000x1xi32>
    %eq3A_334 = vector.broadcast %broadcast_in_dim3A_333 : vector<1000x1xi32> to vector<1000x1000xi32>
    %eq3A_335 = arith.cmpi eq, %iota3A, %eq3A_334 : vector<1000x1000xi32>
    %jit3A_336 = arith.constant -3.400000e+38 : f32
    %broadcast_in_dim3A_337 = vector.broadcast %jit3A_336 : f32 to vector<1000x1000xf32>
    %select_n3A_338 = arith.select %eq3A_335, %broadcast_in_dim3A_337, %get3A_322 : vector<1000x1000xi1>, vector<1000x1000xf32>
    %swap3A_339 = arith.constant 0 : index
    %swap3A_340 = arith.constant 0 : index
    %swap3A_341 = vector.load %arg3[%swap3A_339, %swap3A_340] : memref<1000x1000xf32, #tpu.memory_space<vmem>>, vector<1000x1000xf32>
    tpu.vector_store %arg3[%swap3A_339, %swap3A_340], %select_n3A_338 {strides = array<i32>} : memref<1000x1000xf32, #tpu.memory_space<vmem>>, vector<1000x1000xf32>,
    %get3A_342 = arith.constant 0 : index
    %get3A_343 = arith.constant 0 : index
    %get3A_344 = vector.load %arg3[%get3A_342, %get3A_343] : memref<1000x1000xf32, #tpu.memory_space<vmem>>, vector<1000x1000xf32>
    %reduce_max3A_345 = arith.constant dense<0xFF800000> : vector<1000xf32>
    %reduce_max3A_346 = vector.multi_reduction <maximumf>, %get3A_344, %reduce_max3A_345 [1] : vector<1000x1000xf32> to vector<1000xf32>
    %broadcast_in_dim3A_347 = vector.shape_cast %reduce_max3A_346 : vector<1000xf32> to vector<1000x1xf32>
    %eq3A_348 = vector.broadcast %broadcast_in_dim3A_347 : vector<1000x1xf32> to vector<1000x1000xf32>
    %eq3A_349 = arith.cmpf oeq, %get3A_344, %eq3A_348 : vector<1000x1000xf32>
    %jit3A_350 = arith.constant 1000 : i32
    %broadcast_in_dim3A_351 = vector.broadcast %jit3A_350 : i32 to vector<1000x1000xi32>
    %select_n3A_352 = arith.select %eq3A_349, %iota3A, %broadcast_in_dim3A_351 : vector<1000x1000xi1>, vector<1000x1000xi32>
    %reduce_min3A_353 = arith.constant dense<2147483647> : vector<1000xi32>
    %reduce_min3A_354 = vector.multi_reduction <minsi>, %select_n3A_352, %reduce_min3A_353 [1] : vector<1000x1000xi32> to vector<1000xi32>
    %broadcast_in_dim3A_355 = vector.shape_cast %reduce_min3A_354 : vector<1000xi32> to vector<1000x1xi32>
    %eq3A_356 = vector.broadcast %broadcast_in_dim3A_355 : vector<1000x1xi32> to vector<1000x1000xi32>
    %eq3A_357 = arith.cmpi eq, %iota3A, %eq3A_356 : vector<1000x1000xi32>
    %jit3A_358 = arith.constant -3.400000e+38 : f32
    %broadcast_in_dim3A_359 = vector.broadcast %jit3A_358 : f32 to vector<1000x1000xf32>
    %select_n3A_360 = arith.select %eq3A_357, %broadcast_in_dim3A_359, %get3A_344 : vector<1000x1000xi1>, vector<1000x1000xf32>
    %swap3A_361 = arith.constant 0 : index
    %swap3A_362 = arith.constant 0 : index
    %swap3A_363 = vector.load %arg3[%swap3A_361, %swap3A_362] : memref<1000x1000xf32, #tpu.memory_space<vmem>>, vector<1000x1000xf32>
    tpu.vector_store %arg3[%swap3A_361, %swap3A_362], %select_n3A_360 {strides = array<i32>} : memref<1000x1000xf32, #tpu.memory_space<vmem>>, vector<1000x1000xf32>,
    %get3A_364 = arith.constant 0 : index
    %get3A_365 = arith.constant 0 : index
    %get3A_366 = vector.load %arg3[%get3A_364, %get3A_365] : memref<1000x1000xf32, #tpu.memory_space<vmem>>, vector<1000x1000xf32>
    %reduce_max3A_367 = arith.constant dense<0xFF800000> : vector<1000xf32>
    %reduce_max3A_368 = vector.multi_reduction <maximumf>, %get3A_366, %reduce_max3A_367 [1] : vector<1000x1000xf32> to vector<1000xf32>
    %broadcast_in_dim3A_369 = vector.shape_cast %reduce_max3A_368 : vector<1000xf32> to vector<1000x1xf32>
    %eq3A_370 = vector.broadcast %broadcast_in_dim3A_369 : vector<1000x1xf32> to vector<1000x1000xf32>
    %eq3A_371 = arith.cmpf oeq, %get3A_366, %eq3A_370 : vector<1000x1000xf32>
    %jit3A_372 = arith.constant 1000 : i32
    %broadcast_in_dim3A_373 = vector.broadcast %jit3A_372 : i32 to vector<1000x1000xi32>
    %select_n3A_374 = arith.select %eq3A_371, %iota3A, %broadcast_in_dim3A_373 : vector<1000x1000xi1>, vector<1000x1000xi32>
    %reduce_min3A_375 = arith.constant dense<2147483647> : vector<1000xi32>
    %reduce_min3A_376 = vector.multi_reduction <minsi>, %select_n3A_374, %reduce_min3A_375 [1] : vector<1000x1000xi32> to vector<1000xi32>
    %broadcast_in_dim3A_377 = vector.shape_cast %reduce_min3A_376 : vector<1000xi32> to vector<1000x1xi32>
    %eq3A_378 = vector.broadcast %broadcast_in_dim3A_377 : vector<1000x1xi32> to vector<1000x1000xi32>
    %eq3A_379 = arith.cmpi eq, %iota3A, %eq3A_378 : vector<1000x1000xi32>
    %jit3A_380 = arith.constant -3.400000e+38 : f32
    %broadcast_in_dim3A_381 = vector.broadcast %jit3A_380 : f32 to vector<1000x1000xf32>
    %select_n3A_382 = arith.select %eq3A_379, %broadcast_in_dim3A_381, %get3A_366 : vector<1000x1000xi1>, vector<1000x1000xf32>
    %swap3A_383 = arith.constant 0 : index
    %swap3A_384 = arith.constant 0 : index
    %swap3A_385 = vector.load %arg3[%swap3A_383, %swap3A_384] : memref<1000x1000xf32, #tpu.memory_space<vmem>>, vector<1000x1000xf32>
    tpu.vector_store %arg3[%swap3A_383, %swap3A_384], %select_n3A_382 {strides = array<i32>} : memref<1000x1000xf32, #tpu.memory_space<vmem>>, vector<1000x1000xf32>,
    %get3A_386 = arith.constant 0 : index
    %get3A_387 = arith.constant 0 : index
    %get3A_388 = vector.load %arg3[%get3A_386, %get3A_387] : memref<1000x1000xf32, #tpu.memory_space<vmem>>, vector<1000x1000xf32>
    %reduce_max3A_389 = arith.constant dense<0xFF800000> : vector<1000xf32>
    %reduce_max3A_390 = vector.multi_reduction <maximumf>, %get3A_388, %reduce_max3A_389 [1] : vector<1000x1000xf32> to vector<1000xf32>
    %broadcast_in_dim3A_391 = vector.shape_cast %reduce_max3A_390 : vector<1000xf32> to vector<1000x1xf32>
    %eq3A_392 = vector.broadcast %broadcast_in_dim3A_391 : vector<1000x1xf32> to vector<1000x1000xf32>
    %eq3A_393 = arith.cmpf oeq, %get3A_388, %eq3A_392 : vector<1000x1000xf32>
    %jit3A_394 = arith.constant 1000 : i32
    %broadcast_in_dim3A_395 = vector.broadcast %jit3A_394 : i32 to vector<1000x1000xi32>
    %select_n3A_396 = arith.select %eq3A_393, %iota3A, %broadcast_in_dim3A_395 : vector<1000x1000xi1>, vector<1000x1000xi32>
    %reduce_min3A_397 = arith.constant dense<2147483647> : vector<1000xi32>
    %reduce_min3A_398 = vector.multi_reduction <minsi>, %select_n3A_396, %reduce_min3A_397 [1] : vector<1000x1000xi32> to vector<1000xi32>
    %broadcast_in_dim3A_399 = vector.shape_cast %reduce_min3A_398 : vector<1000xi32> to vector<1000x1xi32>
    %eq3A_400 = vector.broadcast %broadcast_in_dim3A_399 : vector<1000x1xi32> to vector<1000x1000xi32>
    %eq3A_401 = arith.cmpi eq, %iota3A, %eq3A_400 : vector<1000x1000xi32>
    %jit3A_402 = arith.constant -3.400000e+38 : f32
    %broadcast_in_dim3A_403 = vector.broadcast %jit3A_402 : f32 to vector<1000x1000xf32>
    %select_n3A_404 = arith.select %eq3A_401, %broadcast_in_dim3A_403, %get3A_388 : vector<1000x1000xi1>, vector<1000x1000xf32>
    %swap3A_405 = arith.constant 0 : index
    %swap3A_406 = arith.constant 0 : index
    %swap3A_407 = vector.load %arg3[%swap3A_405, %swap3A_406] : memref<1000x1000xf32, #tpu.memory_space<vmem>>, vector<1000x1000xf32>
    tpu.vector_store %arg3[%swap3A_405, %swap3A_406], %select_n3A_404 {strides = array<i32>} : memref<1000x1000xf32, #tpu.memory_space<vmem>>, vector<1000x1000xf32>,
    %get3A_408 = arith.constant 0 : index
    %get3A_409 = arith.constant 0 : index
    %get3A_410 = vector.load %arg3[%get3A_408, %get3A_409] : memref<1000x1000xf32, #tpu.memory_space<vmem>>, vector<1000x1000xf32>
    %reduce_max3A_411 = arith.constant dense<0xFF800000> : vector<1000xf32>
    %reduce_max3A_412 = vector.multi_reduction <maximumf>, %get3A_410, %reduce_max3A_411 [1] : vector<1000x1000xf32> to vector<1000xf32>
    %broadcast_in_dim3A_413 = vector.shape_cast %reduce_max3A_412 : vector<1000xf32> to vector<1000x1xf32>
    %eq3A_414 = vector.broadcast %broadcast_in_dim3A_413 : vector<1000x1xf32> to vector<1000x1000xf32>
    %eq3A_415 = arith.cmpf oeq, %get3A_410, %eq3A_414 : vector<1000x1000xf32>
    %jit3A_416 = arith.constant 1000 : i32
    %broadcast_in_dim3A_417 = vector.broadcast %jit3A_416 : i32 to vector<1000x1000xi32>
    %select_n3A_418 = arith.select %eq3A_415, %iota3A, %broadcast_in_dim3A_417 : vector<1000x1000xi1>, vector<1000x1000xi32>
    %reduce_min3A_419 = arith.constant dense<2147483647> : vector<1000xi32>
    %reduce_min3A_420 = vector.multi_reduction <minsi>, %select_n3A_418, %reduce_min3A_419 [1] : vector<1000x1000xi32> to vector<1000xi32>
    %broadcast_in_dim3A_421 = vector.shape_cast %reduce_min3A_420 : vector<1000xi32> to vector<1000x1xi32>
    %eq3A_422 = vector.broadcast %broadcast_in_dim3A_421 : vector<1000x1xi32> to vector<1000x1000xi32>
    %eq3A_423 = arith.cmpi eq, %iota3A, %eq3A_422 : vector<1000x1000xi32>
    %jit3A_424 = arith.constant -3.400000e+38 : f32
    %broadcast_in_dim3A_425 = vector.broadcast %jit3A_424 : f32 to vector<1000x1000xf32>
    %select_n3A_426 = arith.select %eq3A_423, %broadcast_in_dim3A_425, %get3A_410 : vector<1000x1000xi1>, vector<1000x1000xf32>
    %swap3A_427 = arith.constant 0 : index
    %swap3A_428 = arith.constant 0 : index
    %swap3A_429 = vector.load %arg3[%swap3A_427, %swap3A_428] : memref<1000x1000xf32, #tpu.memory_space<vmem>>, vector<1000x1000xf32>
    tpu.vector_store %arg3[%swap3A_427, %swap3A_428], %select_n3A_426 {strides = array<i32>} : memref<1000x1000xf32, #tpu.memory_space<vmem>>, vector<1000x1000xf32>,
    %get3A_430 = arith.constant 0 : index
    %get3A_431 = arith.constant 0 : index
    %get3A_432 = vector.load %arg3[%get3A_430, %get3A_431] : memref<1000x1000xf32, #tpu.memory_space<vmem>>, vector<1000x1000xf32>
    %reduce_max3A_433 = arith.constant dense<0xFF800000> : vector<1000xf32>
    %reduce_max3A_434 = vector.multi_reduction <maximumf>, %get3A_432, %reduce_max3A_433 [1] : vector<1000x1000xf32> to vector<1000xf32>
    %broadcast_in_dim3A_435 = vector.shape_cast %reduce_max3A_434 : vector<1000xf32> to vector<1000x1xf32>
    %eq3A_436 = vector.broadcast %broadcast_in_dim3A_435 : vector<1000x1xf32> to vector<1000x1000xf32>
    %eq3A_437 = arith.cmpf oeq, %get3A_432, %eq3A_436 : vector<1000x1000xf32>
    %jit3A_438 = arith.constant 1000 : i32
    %broadcast_in_dim3A_439 = vector.broadcast %jit3A_438 : i32 to vector<1000x1000xi32>
    %select_n3A_440 = arith.select %eq3A_437, %iota3A, %broadcast_in_dim3A_439 : vector<1000x1000xi1>, vector<1000x1000xi32>
    %reduce_min3A_441 = arith.constant dense<2147483647> : vector<1000xi32>
    %reduce_min3A_442 = vector.multi_reduction <minsi>, %select_n3A_440, %reduce_min3A_441 [1] : vector<1000x1000xi32> to vector<1000xi32>
    %broadcast_in_dim3A_443 = vector.shape_cast %reduce_min3A_442 : vector<1000xi32> to vector<1000x1xi32>
    %eq3A_444 = vector.broadcast %broadcast_in_dim3A_443 : vector<1000x1xi32> to vector<1000x1000xi32>
    %eq3A_445 = arith.cmpi eq, %iota3A, %eq3A_444 : vector<1000x1000xi32>
    %jit3A_446 = arith.constant -3.400000e+38 : f32
    %broadcast_in_dim3A_447 = vector.broadcast %jit3A_446 : f32 to vector<1000x1000xf32>
    %select_n3A_448 = arith.select %eq3A_445, %broadcast_in_dim3A_447, %get3A_432 : vector<1000x1000xi1>, vector<1000x1000xf32>
    %swap3A_449 = arith.constant 0 : index
    %swap3A_450 = arith.constant 0 : index
    %swap3A_451 = vector.load %arg3[%swap3A_449, %swap3A_450] : memref<1000x1000xf32, #tpu.memory_space<vmem>>, vector<1000x1000xf32>
    tpu.vector_store %arg3[%swap3A_449, %swap3A_450], %select_n3A_448 {strides = array<i32>} : memref<1000x1000xf32, #tpu.memory_space<vmem>>, vector<1000x1000xf32>,
    %concatenate3A = tpu.concatenate %broadcast_in_dim3A_25, %broadcast_in_dim3A_47, %broadcast_in_dim3A_69, %broadcast_in_dim3A_91, %broadcast_in_dim3A_113, %broadcast_in_dim3A_135, %broadcast_in_dim3A_157, %broadcast_in_dim3A_179, %broadcast_in_dim3A_201, %broadcast_in_dim3A_223, %broadcast_in_dim3A_245, %broadcast_in_dim3A_267, %broadcast_in_dim3A_289, %broadcast_in_dim3A_311, %broadcast_in_dim3A_333, %broadcast_in_dim3A_355, %broadcast_in_dim3A_377, %broadcast_in_dim3A_399, %broadcast_in_dim3A_421, %broadcast_in_dim3A_443 in 1 : vector<1000x1xi32>, vector<1000x1xi32>, vector<1000x1xi32>, vector<1000x1xi32>, vector<1000x1xi32>, vector<1000x1xi32>, vector<1000x1xi32>, vector<1000x1xi32>, vector<1000x1xi32>, vector<1000x1xi32>, vector<1000x1xi32>, vector<1000x1xi32>, vector<1000x1xi32>, vector<1000x1xi32>, vector<1000x1xi32>, vector<1000x1xi32>, vector<1000x1xi32>, vector<1000x1xi32>, vector<1000x1xi32>, vector<1000x1xi32> -> vector<1000x20xi32>
    %swap3A_452 = arith.constant 0 : index
    %swap3A_453 = arith.constant 0 : index
    %swap3A_454 = vector.load %arg2[%swap3A_452, %swap3A_453] : memref<1000x20xi32, #tpu.memory_space<vmem>>, vector<1000x20xi32>
    tpu.vector_store %arg2[%swap3A_452, %swap3A_453], %concatenate3A {strides = array<i32>} : memref<1000x20xi32, #tpu.memory_space<vmem>>, vector<1000x20xi32>,
    return
  }
}

module attributes {stable_mosaic.version = 14 : i64} {
  func.func @_xlin_body(%arg0: i32, %arg1: memref<1x1000x64xf32, #tpu.memory_space<vmem>>, %arg2: memref<64x64xf32, #tpu.memory_space<vmem>>, %arg3: memref<1000x64xf32, #tpu.memory_space<vmem>>, %arg4: memref<1x1000x64xf32, #tpu.memory_space<vmem>>, %arg5: memref<1x1000x128xf32, #tpu.memory_space<vmem>>) attributes {dimension_semantics = [#tpu.dimension_semantics<arbitrary>], iteration_bounds = array<i64: 128>, scalar_prefetch = 0 : i64, scratch_operands = 0 : i64, tpu.core_type = #tpu.core_type<tc>, window_params = [{transform_indices = @transform_0, window_bounds = array<i64: 1, 1000, 64>}, {pipeline_mode = #tpu.pipeline_mode<synchronous>, transform_indices = @transform_1, window_bounds = array<i64: 64, 64>}, {pipeline_mode = #tpu.pipeline_mode<synchronous>, transform_indices = @transform_2, window_bounds = array<i64: 1000, 64>}, {transform_indices = @transform_3, window_bounds = array<i64: 1, 1000, 64>}, {transform_indices = @transform_4, window_bounds = array<i64: 1, 1000, 128>}]} {
    %get3A = arith.constant 0 : index
    %get3A_0 = arith.constant 0 : index
    %get3A_1 = arith.constant 0 : index
    %get3A_2 = vector.load %arg1[%get3A, %get3A_0, %get3A_1] : memref<1x1000x64xf32, #tpu.memory_space<vmem>>, vector<1x1000x64xf32>
    %get3A_3 = vector.shape_cast %get3A_2 : vector<1x1000x64xf32> to vector<1000x64xf32>
    %get3A_4 = arith.constant 0 : index
    %get3A_5 = arith.constant 0 : index
    %get3A_6 = vector.load %arg2[%get3A_4, %get3A_5] : memref<64x64xf32, #tpu.memory_space<vmem>>, vector<64x64xf32>
    %dot_general3A = arith.constant dense<0.000000e+00> : vector<1000x64xf32>
    %dot_general3A_7 = tpu.matmul %get3A_3, %get3A_6, %dot_general3A {dimension_numbers = #tpu.dot_dimension_numbers<[1], [0], [0], [1], [0, 0, 1, 1], [], []>, transpose_lhs_hint = false} : vector<1000x64xf32>, vector<64x64xf32>, vector<1000x64xf32> -> vector<1000x64xf32>
    %swap3A = arith.constant 0 : index
    %swap3A_8 = arith.constant 0 : index
    %swap3A_9 = arith.constant 0 : index
    %swap3A_10 = vector.load %arg4[%swap3A, %swap3A_8, %swap3A_9] : memref<1x1000x64xf32, #tpu.memory_space<vmem>>, vector<1x1000x64xf32>
    %swap3A_11 = vector.shape_cast %swap3A_10 : vector<1x1000x64xf32> to vector<1000x64xf32>
    %swap3A_12 = vector.shape_cast %dot_general3A_7 : vector<1000x64xf32> to vector<1x1000x64xf32>
    tpu.vector_store %arg4[%swap3A, %swap3A_8, %swap3A_9], %swap3A_12 {strides = array<i32>} : memref<1x1000x64xf32, #tpu.memory_space<vmem>>, vector<1x1000x64xf32>,
    %get3A_13 = arith.constant 0 : index
    %get3A_14 = arith.constant 0 : index
    %get3A_15 = vector.load %arg3[%get3A_13, %get3A_14] : memref<1000x64xf32, #tpu.memory_space<vmem>>, vector<1000x64xf32>
    %concatenate3A = tpu.concatenate %dot_general3A_7, %get3A_15 in 1 : vector<1000x64xf32>, vector<1000x64xf32> -> vector<1000x128xf32>
    %swap3A_16 = arith.constant 0 : index
    %swap3A_17 = arith.constant 0 : index
    %swap3A_18 = arith.constant 0 : index
    %swap3A_19 = vector.load %arg5[%swap3A_16, %swap3A_17, %swap3A_18] : memref<1x1000x128xf32, #tpu.memory_space<vmem>>, vector<1x1000x128xf32>
    %swap3A_20 = vector.shape_cast %swap3A_19 : vector<1x1000x128xf32> to vector<1000x128xf32>
    %swap3A_21 = vector.shape_cast %concatenate3A : vector<1000x128xf32> to vector<1x1000x128xf32>
    tpu.vector_store %arg5[%swap3A_16, %swap3A_17, %swap3A_18], %swap3A_21 {strides = array<i32>} : memref<1x1000x128xf32, #tpu.memory_space<vmem>>, vector<1x1000x128xf32>,
    return
  }
  func.func @transform_0(%arg0: i32) -> (i32, i32, i32) {
    %c0_i32 = arith.constant 0 : i32
    %c0_i32_0 = arith.constant 0 : i32
    %c0_i32_1 = arith.constant 0 : i32
    return %arg0, %c0_i32, %c0_i32_0 : i32, i32, i32
  }
  func.func @transform_1(%arg0: i32) -> (i32, i32) {
    %c0_i32 = arith.constant 0 : i32
    %c0_i32_0 = arith.constant 0 : i32
    %c0_i32_1 = arith.constant 0 : i32
    return %c0_i32, %c0_i32_0 : i32, i32
  }
  func.func @transform_2(%arg0: i32) -> (i32, i32) {
    %c0_i32 = arith.constant 0 : i32
    %c0_i32_0 = arith.constant 0 : i32
    %c0_i32_1 = arith.constant 0 : i32
    return %c0_i32, %c0_i32_0 : i32, i32
  }
  func.func @transform_3(%arg0: i32) -> (i32, i32, i32) {
    %c0_i32 = arith.constant 0 : i32
    %c0_i32_0 = arith.constant 0 : i32
    %c0_i32_1 = arith.constant 0 : i32
    return %arg0, %c0_i32, %c0_i32_0 : i32, i32, i32
  }
  func.func @transform_4(%arg0: i32) -> (i32, i32, i32) {
    %c0_i32 = arith.constant 0 : i32
    %c0_i32_0 = arith.constant 0 : i32
    %c0_i32_1 = arith.constant 0 : i32
    return %arg0, %c0_i32, %c0_i32_0 : i32, i32, i32
  }
}

module attributes {stable_mosaic.version = 14 : i64} {
  func.func @_att_body(%arg0: i32, %arg1: memref<1x1000x20x128xf32, #tpu.memory_space<vmem>>, %arg2: memref<1x1000x64xf32, #tpu.memory_space<vmem>>, %arg3: memref<1000x64xf32, #tpu.memory_space<vmem>>, %arg4: memref<1000x20xf32, #tpu.memory_space<vmem>>, %arg5: memref<1x64xf32, #tpu.memory_space<vmem>>, %arg6: memref<1x128xf32, #tpu.memory_space<vmem>>, %arg7: memref<1x64xf32, #tpu.memory_space<vmem>>, %arg8: memref<1x64xf32, #tpu.memory_space<vmem>>, %arg9: memref<1x64xf32, #tpu.memory_space<vmem>>, %arg10: memref<1x64xf32, #tpu.memory_space<vmem>>, %arg11: memref<1x1000x20xf32, #tpu.memory_space<vmem>>, %arg12: memref<1x1000x1xf32, #tpu.memory_space<vmem>>, %arg13: memref<1x1000x64xf32, #tpu.memory_space<vmem>>, %arg14: memref<8x64xf32, #tpu.memory_space<vmem>>, %arg15: memref<8x64xf32, #tpu.memory_space<vmem>>) attributes {dimension_semantics = [#tpu.dimension_semantics<arbitrary>], iteration_bounds = array<i64: 128>, scalar_prefetch = 0 : i64, scratch_operands = 0 : i64, tpu.core_type = #tpu.core_type<tc>, window_params = [{transform_indices = @transform_0, window_bounds = array<i64: 1, 1000, 20, 128>}, {transform_indices = @transform_1, window_bounds = array<i64: 1, 1000, 64>}, {pipeline_mode = #tpu.pipeline_mode<synchronous>, transform_indices = @transform_2, window_bounds = array<i64: 1000, 64>}, {pipeline_mode = #tpu.pipeline_mode<synchronous>, transform_indices = @transform_3, window_bounds = array<i64: 1000, 20>}, {pipeline_mode = #tpu.pipeline_mode<synchronous>, transform_indices = @transform_4, window_bounds = array<i64: 1, 64>}, {pipeline_mode = #tpu.pipeline_mode<synchronous>, transform_indices = @transform_5, window_bounds = array<i64: 1, 128>}, {pipeline_mode = #tpu.pipeline_mode<synchronous>, transform_indices = @transform_6, window_bounds = array<i64: 1, 64>}, {pipeline_mode = #tpu.pipeline_mode<synchronous>, transform_indices = @transform_7, window_bounds = array<i64: 1, 64>}, {pipeline_mode = #tpu.pipeline_mode<synchronous>, transform_indices = @transform_8, window_bounds = array<i64: 1, 64>}, {pipeline_mode = #tpu.pipeline_mode<synchronous>, transform_indices = @transform_9, window_bounds = array<i64: 1, 64>}, {transform_indices = @transform_10, window_bounds = array<i64: 1, 1000, 20>}, {transform_indices = @transform_11, window_bounds = array<i64: 1, 1000, 1>}, {transform_indices = @transform_12, window_bounds = array<i64: 1, 1000, 64>}, {pipeline_mode = #tpu.pipeline_mode<synchronous>, transform_indices = @transform_13, window_bounds = array<i64: 8, 64>}, {pipeline_mode = #tpu.pipeline_mode<synchronous>, transform_indices = @transform_14, window_bounds = array<i64: 8, 64>}]} {
    %get3A = arith.constant 0 : index
    %get3A_0 = arith.constant 0 : index
    %get3A_1 = arith.constant 0 : index
    %get3A_2 = arith.constant 0 : index
    %get3A_3 = vector.load %arg1[%get3A, %get3A_0, %get3A_1, %get3A_2] : memref<1x1000x20x128xf32, #tpu.memory_space<vmem>>, vector<1x1000x20x128xf32>
    %get3A_4 = vector.shape_cast %get3A_3 : vector<1x1000x20x128xf32> to vector<1000x20x128xf32>
    %get3A_5 = arith.constant 0 : index
    %get3A_6 = arith.constant 0 : index
    %get3A_7 = arith.constant 0 : index
    %get3A_8 = vector.load %arg2[%get3A_5, %get3A_6, %get3A_7] : memref<1x1000x64xf32, #tpu.memory_space<vmem>>, vector<1x1000x64xf32>
    %get3A_9 = vector.shape_cast %get3A_8 : vector<1x1000x64xf32> to vector<1000x64xf32>
    %get3A_10 = arith.constant 0 : index
    %get3A_11 = arith.constant 0 : index
    %get3A_12 = vector.load %arg3[%get3A_10, %get3A_11] : memref<1000x64xf32, #tpu.memory_space<vmem>>, vector<1000x64xf32>
    %get3A_13 = arith.constant 0 : index
    %get3A_14 = arith.constant 0 : index
    %get3A_15 = vector.load %arg4[%get3A_13, %get3A_14] : memref<1000x20xf32, #tpu.memory_space<vmem>>, vector<1000x20xf32>
    %get3A_16 = arith.constant 0 : index
    %get3A_17 = arith.constant 0 : index
    %get3A_18 = vector.load %arg8[%get3A_16, %get3A_17] : memref<1x64xf32, #tpu.memory_space<vmem>>, vector<1x64xf32>
    %mul3A = vector.broadcast %get3A_18 : vector<1x64xf32> to vector<1000x64xf32>
    %mul3A_19 = arith.mulf %get3A_12, %mul3A : vector<1000x64xf32>
    %reduce_sum3A = arith.constant dense<0.000000e+00> : vector<1000xf32>
    %reduce_sum3A_20 = vector.multi_reduction <add>, %mul3A_19, %reduce_sum3A [1] : vector<1000x64xf32> to vector<1000xf32>
    %broadcast_in_dim3A = vector.shape_cast %reduce_sum3A_20 : vector<1000xf32> to vector<1000x1xf32>
    %get3A_21 = arith.constant 0 : index
    %get3A_22 = arith.constant 0 : index
    %get3A_23 = vector.load %arg9[%get3A_21, %get3A_22] : memref<1x64xf32, #tpu.memory_space<vmem>>, vector<1x64xf32>
    %mul3A_24 = vector.broadcast %get3A_23 : vector<1x64xf32> to vector<1000x64xf32>
    %mul3A_25 = arith.mulf %get3A_12, %mul3A_24 : vector<1000x64xf32>
    %reduce_sum3A_26 = arith.constant dense<0.000000e+00> : vector<1000xf32>
    %reduce_sum3A_27 = vector.multi_reduction <add>, %mul3A_25, %reduce_sum3A_26 [1] : vector<1000x64xf32> to vector<1000xf32>
    %broadcast_in_dim3A_28 = vector.shape_cast %reduce_sum3A_27 : vector<1000xf32> to vector<1000x1xf32>
    %get3A_29 = arith.constant 0 : index
    %get3A_30 = arith.constant 0 : index
    %get3A_31 = vector.load %arg5[%get3A_29, %get3A_30] : memref<1x64xf32, #tpu.memory_space<vmem>>, vector<1x64xf32>
    %mul3A_32 = vector.broadcast %get3A_31 : vector<1x64xf32> to vector<1000x64xf32>
    %mul3A_33 = arith.mulf %get3A_9, %mul3A_32 : vector<1000x64xf32>
    %reduce_sum3A_34 = arith.constant dense<0.000000e+00> : vector<1000xf32>
    %reduce_sum3A_35 = vector.multi_reduction <add>, %mul3A_33, %reduce_sum3A_34 [1] : vector<1000x64xf32> to vector<1000xf32>
    %broadcast_in_dim3A_36 = vector.shape_cast %reduce_sum3A_35 : vector<1000xf32> to vector<1000x1xf32>
    %add3A = arith.addf %broadcast_in_dim3A_36, %broadcast_in_dim3A : vector<1000x1xf32>
    %get3A_37 = arith.constant 0 : index
    %get3A_38 = arith.constant 0 : index
    %get3A_39 = vector.load %arg7[%get3A_37, %get3A_38] : memref<1x64xf32, #tpu.memory_space<vmem>>, vector<1x64xf32>
    %mul3A_40 = vector.broadcast %get3A_39 : vector<1x64xf32> to vector<1000x64xf32>
    %mul3A_41 = arith.mulf %get3A_9, %mul3A_40 : vector<1000x64xf32>
    %reduce_sum3A_42 = arith.constant dense<0.000000e+00> : vector<1000xf32>
    %reduce_sum3A_43 = vector.multi_reduction <add>, %mul3A_41, %reduce_sum3A_42 [1] : vector<1000x64xf32> to vector<1000xf32>
    %broadcast_in_dim3A_44 = vector.shape_cast %reduce_sum3A_43 : vector<1000xf32> to vector<1000x1xf32>
    %add3A_45 = arith.addf %broadcast_in_dim3A_44, %broadcast_in_dim3A_28 : vector<1000x1xf32>
    %get3A_46 = arith.constant 0 : index
    %get3A_47 = arith.constant 0 : index
    %get3A_48 = vector.load %arg6[%get3A_46, %get3A_47] : memref<1x128xf32, #tpu.memory_space<vmem>>, vector<1x128xf32>
    %broadcast_in_dim3A_49 = vector.shape_cast %get3A_48 : vector<1x128xf32> to vector<1x1x128xf32>
    %mul3A_50 = vector.broadcast %broadcast_in_dim3A_49 : vector<1x1x128xf32> to vector<1000x20x128xf32>
    %mul3A_51 = arith.mulf %get3A_4, %mul3A_50 : vector<1000x20x128xf32>
    %reduce_sum3A_52 = arith.constant dense<0.000000e+00> : vector<1000x20xf32>
    %reduce_sum3A_53 = vector.multi_reduction <add>, %mul3A_51, %reduce_sum3A_52 [2] : vector<1000x20x128xf32> to vector<1000x20xf32>
    %add3A_54 = vector.broadcast %add3A : vector<1000x1xf32> to vector<1000x20xf32>
    %add3A_55 = arith.addf %add3A_54, %reduce_sum3A_53 : vector<1000x20xf32>
    %ge3A = arith.constant 0.000000e+00 : f32
    %ge3A_56 = vector.broadcast %ge3A : f32 to vector<1000x20xf32>
    %ge3A_57 = arith.cmpf oge, %add3A_55, %ge3A_56 : vector<1000x20xf32>
    %mul3A_58 = arith.constant 2.000000e-01 : f32
    %mul3A_59 = vector.broadcast %mul3A_58 : f32 to vector<1000x20xf32>
    %mul3A_60 = arith.mulf %mul3A_59, %add3A_55 : vector<1000x20xf32>
    %select_n3A = arith.select %ge3A_57, %add3A_55, %mul3A_60 : vector<1000x20xi1>, vector<1000x20xf32>
    %add3A_61 = arith.addf %add3A, %add3A_45 : vector<1000x1xf32>
    %ge3A_62 = arith.constant 0.000000e+00 : f32
    %ge3A_63 = vector.broadcast %ge3A_62 : f32 to vector<1000x1xf32>
    %ge3A_64 = arith.cmpf oge, %add3A_61, %ge3A_63 : vector<1000x1xf32>
    %mul3A_65 = arith.constant 2.000000e-01 : f32
    %mul3A_66 = vector.broadcast %mul3A_65 : f32 to vector<1000x1xf32>
    %mul3A_67 = arith.mulf %mul3A_66, %add3A_61 : vector<1000x1xf32>
    %select_n3A_68 = arith.select %ge3A_64, %add3A_61, %mul3A_67 : vector<1000x1xi1>, vector<1000x1xf32>
    %gt3A = arith.constant 0.000000e+00 : f32
    %gt3A_69 = vector.broadcast %gt3A : f32 to vector<1000x20xf32>
    %gt3A_70 = arith.cmpf ogt, %get3A_15, %gt3A_69 : vector<1000x20xf32>
    %jit3A = arith.constant -1.000000e+09 : f32
    %broadcast_in_dim3A_71 = vector.broadcast %jit3A : f32 to vector<1000x20xf32>
    %select_n3A_72 = arith.select %gt3A_70, %broadcast_in_dim3A_71, %select_n3A : vector<1000x20xi1>, vector<1000x20xf32>
    %reduce_max3A = arith.constant dense<0xFF800000> : vector<1000xf32>
    %reduce_max3A_73 = vector.multi_reduction <maximumf>, %select_n3A_72, %reduce_max3A [1] : vector<1000x20xf32> to vector<1000xf32>
    %broadcast_in_dim3A_74 = vector.shape_cast %reduce_max3A_73 : vector<1000xf32> to vector<1000x1xf32>
    %max3A = arith.maximumf %broadcast_in_dim3A_74, %select_n3A_68 : vector<1000x1xf32>
    %gt3A_75 = arith.constant 0.000000e+00 : f32
    %gt3A_76 = vector.broadcast %gt3A_75 : f32 to vector<1000x20xf32>
    %gt3A_77 = arith.cmpf ogt, %get3A_15, %gt3A_76 : vector<1000x20xf32>
    %sub3A = vector.broadcast %max3A : vector<1000x1xf32> to vector<1000x20xf32>
    %sub3A_78 = arith.subf %select_n3A_72, %sub3A : vector<1000x20xf32>
    %exp3A = math.exp %sub3A_78 : vector<1000x20xf32>
    %jit3A_79 = arith.constant 0.000000e+00 : f32
    %broadcast_in_dim3A_80 = vector.broadcast %jit3A_79 : f32 to vector<1000x20xf32>
    %select_n3A_81 = arith.select %gt3A_77, %broadcast_in_dim3A_80, %exp3A : vector<1000x20xi1>, vector<1000x20xf32>
    %sub3A_82 = arith.subf %select_n3A_68, %max3A : vector<1000x1xf32>
    %exp3A_83 = math.exp %sub3A_82 : vector<1000x1xf32>
    %reduce_sum3A_84 = arith.constant dense<0.000000e+00> : vector<1000xf32>
    %reduce_sum3A_85 = vector.multi_reduction <add>, %select_n3A_81, %reduce_sum3A_84 [1] : vector<1000x20xf32> to vector<1000xf32>
    %broadcast_in_dim3A_86 = vector.shape_cast %reduce_sum3A_85 : vector<1000xf32> to vector<1000x1xf32>
    %add3A_87 = arith.addf %broadcast_in_dim3A_86, %exp3A_83 : vector<1000x1xf32>
    %div3A = vector.broadcast %add3A_87 : vector<1000x1xf32> to vector<1000x20xf32>
    %div3A_88 = arith.divf %select_n3A_81, %div3A : vector<1000x20xf32>
    %div3A_89 = arith.divf %exp3A_83, %add3A_87 : vector<1000x1xf32>
    %broadcast_in_dim3A_90 = vector.shape_cast %div3A_88 : vector<1000x20xf32> to vector<1000x20x1xf32>
    %mul3A_91 = vector.broadcast %broadcast_in_dim3A_90 : vector<1000x20x1xf32> to vector<1000x20x128xf32>
    %mul3A_92 = arith.mulf %get3A_4, %mul3A_91 : vector<1000x20x128xf32>
    %reduce_sum3A_93 = arith.constant dense<0.000000e+00> : vector<1000x128xf32>
    %reduce_sum3A_94 = vector.multi_reduction <add>, %mul3A_92, %reduce_sum3A_93 [1] : vector<1000x20x128xf32> to vector<1000x128xf32>
    %slice3A = vector.extract_strided_slice %reduce_sum3A_94 {offsets = [0, 0], sizes = [1000, 64], strides = [1, 1]} : vector<1000x128xf32> to vector<1000x64xf32>
    %mul3A_95 = vector.broadcast %div3A_89 : vector<1000x1xf32> to vector<1000x64xf32>
    %mul3A_96 = arith.mulf %mul3A_95, %get3A_9 : vector<1000x64xf32>
    %add3A_97 = arith.addf %slice3A, %mul3A_96 : vector<1000x64xf32>
    %get3A_98 = arith.constant 0 : index
    %get3A_99 = arith.constant 0 : index
    %get3A_100 = vector.load %arg10[%get3A_98, %get3A_99] : memref<1x64xf32, #tpu.memory_space<vmem>>, vector<1x64xf32>
    %add3A_101 = vector.broadcast %get3A_100 : vector<1x64xf32> to vector<1000x64xf32>
    %add3A_102 = arith.addf %add3A_97, %add3A_101 : vector<1000x64xf32>
    %swap3A = arith.constant 0 : index
    %swap3A_103 = arith.constant 0 : index
    %swap3A_104 = arith.constant 0 : index
    %swap3A_105 = vector.load %arg11[%swap3A, %swap3A_103, %swap3A_104] : memref<1x1000x20xf32, #tpu.memory_space<vmem>>, vector<1x1000x20xf32>
    %swap3A_106 = vector.shape_cast %swap3A_105 : vector<1x1000x20xf32> to vector<1000x20xf32>
    %swap3A_107 = vector.shape_cast %div3A_88 : vector<1000x20xf32> to vector<1x1000x20xf32>
    tpu.vector_store %arg11[%swap3A, %swap3A_103, %swap3A_104], %swap3A_107 {strides = array<i32>} : memref<1x1000x20xf32, #tpu.memory_space<vmem>>, vector<1x1000x20xf32>,
    %swap3A_108 = arith.constant 0 : index
    %swap3A_109 = arith.constant 0 : index
    %swap3A_110 = arith.constant 0 : index
    %swap3A_111 = vector.load %arg12[%swap3A_108, %swap3A_109, %swap3A_110] : memref<1x1000x1xf32, #tpu.memory_space<vmem>>, vector<1x1000x1xf32>
    %swap3A_112 = vector.shape_cast %swap3A_111 : vector<1x1000x1xf32> to vector<1000x1xf32>
    %swap3A_113 = vector.shape_cast %div3A_89 : vector<1000x1xf32> to vector<1x1000x1xf32>
    tpu.vector_store %arg12[%swap3A_108, %swap3A_109, %swap3A_110], %swap3A_113 {strides = array<i32>} : memref<1x1000x1xf32, #tpu.memory_space<vmem>>, vector<1x1000x1xf32>,
    %swap3A_114 = arith.constant 0 : index
    %swap3A_115 = arith.constant 0 : index
    %swap3A_116 = arith.constant 0 : index
    %swap3A_117 = vector.load %arg13[%swap3A_114, %swap3A_115, %swap3A_116] : memref<1x1000x64xf32, #tpu.memory_space<vmem>>, vector<1x1000x64xf32>
    %swap3A_118 = vector.shape_cast %swap3A_117 : vector<1x1000x64xf32> to vector<1000x64xf32>
    %swap3A_119 = vector.shape_cast %add3A_102 : vector<1000x64xf32> to vector<1x1000x64xf32>
    tpu.vector_store %arg13[%swap3A_114, %swap3A_115, %swap3A_116], %swap3A_119 {strides = array<i32>} : memref<1x1000x64xf32, #tpu.memory_space<vmem>>, vector<1x1000x64xf32>,
    %eq3A = arith.constant 0 : i32
    %eq3A_120 = arith.cmpi eq, %arg0, %eq3A : i32
    %convert_element_type3A = arith.extui %eq3A_120 : i1 to i32
    %cond3A = arith.constant 0 : i32
    %cond3A_121 = arith.cmpi ne, %convert_element_type3A, %cond3A : i32
    scf.if %cond3A_121 {
      %broadcast_in_dim3A_142 = arith.constant 0.000000e+00 : f32
      %broadcast_in_dim3A_143 = vector.broadcast %broadcast_in_dim3A_142 : f32 to vector<8x64xf32>
      %swap3A_144 = arith.constant 0 : index
      %swap3A_145 = arith.constant 0 : index
      %swap3A_146 = vector.load %arg14[%swap3A_144, %swap3A_145] : memref<8x64xf32, #tpu.memory_space<vmem>>, vector<8x64xf32>
      tpu.vector_store %arg14[%swap3A_144, %swap3A_145], %broadcast_in_dim3A_143 {strides = array<i32>} : memref<8x64xf32, #tpu.memory_space<vmem>>, vector<8x64xf32>,
      %broadcast_in_dim3A_147 = arith.constant 0.000000e+00 : f32
      %broadcast_in_dim3A_148 = vector.broadcast %broadcast_in_dim3A_147 : f32 to vector<8x64xf32>
      %swap3A_149 = arith.constant 0 : index
      %swap3A_150 = arith.constant 0 : index
      %swap3A_151 = vector.load %arg15[%swap3A_149, %swap3A_150] : memref<8x64xf32, #tpu.memory_space<vmem>>, vector<8x64xf32>
      tpu.vector_store %arg15[%swap3A_149, %swap3A_150], %broadcast_in_dim3A_148 {strides = array<i32>} : memref<8x64xf32, #tpu.memory_space<vmem>>, vector<8x64xf32>,
    } else {
    }
    %get3A_122 = arith.constant 0 : index
    %get3A_123 = arith.constant 0 : index
    %get3A_124 = vector.load %arg14[%get3A_122, %get3A_123] : memref<8x64xf32, #tpu.memory_space<vmem>>, vector<8x64xf32>
    %reshape3A = vector.shape_cast %add3A_102 : vector<1000x64xf32> to vector<125x8x64xf32>
    %reduce_sum3A_125 = arith.constant dense<0.000000e+00> : vector<8x64xf32>
    %reduce_sum3A_126 = vector.multi_reduction <add>, %reshape3A, %reduce_sum3A_125 [0] : vector<125x8x64xf32> to vector<8x64xf32>
    %add3A_127 = arith.addf %get3A_124, %reduce_sum3A_126 : vector<8x64xf32>
    %swap3A_128 = arith.constant 0 : index
    %swap3A_129 = arith.constant 0 : index
    %swap3A_130 = vector.load %arg14[%swap3A_128, %swap3A_129] : memref<8x64xf32, #tpu.memory_space<vmem>>, vector<8x64xf32>
    tpu.vector_store %arg14[%swap3A_128, %swap3A_129], %add3A_127 {strides = array<i32>} : memref<8x64xf32, #tpu.memory_space<vmem>>, vector<8x64xf32>,
    %get3A_131 = arith.constant 0 : index
    %get3A_132 = arith.constant 0 : index
    %get3A_133 = vector.load %arg15[%get3A_131, %get3A_132] : memref<8x64xf32, #tpu.memory_space<vmem>>, vector<8x64xf32>
    %mul3A_134 = arith.mulf %add3A_102, %add3A_102 : vector<1000x64xf32>
    %reshape3A_135 = vector.shape_cast %mul3A_134 : vector<1000x64xf32> to vector<125x8x64xf32>
    %reduce_sum3A_136 = arith.constant dense<0.000000e+00> : vector<8x64xf32>
    %reduce_sum3A_137 = vector.multi_reduction <add>, %reshape3A_135, %reduce_sum3A_136 [0] : vector<125x8x64xf32> to vector<8x64xf32>
    %add3A_138 = arith.addf %get3A_133, %reduce_sum3A_137 : vector<8x64xf32>
    %swap3A_139 = arith.constant 0 : index
    %swap3A_140 = arith.constant 0 : index
    %swap3A_141 = vector.load %arg15[%swap3A_139, %swap3A_140] : memref<8x64xf32, #tpu.memory_space<vmem>>, vector<8x64xf32>
    tpu.vector_store %arg15[%swap3A_139, %swap3A_140], %add3A_138 {strides = array<i32>} : memref<8x64xf32, #tpu.memory_space<vmem>>, vector<8x64xf32>,
    return
  }
  func.func @transform_0(%arg0: i32) -> (i32, i32, i32, i32) {
    %c0_i32 = arith.constant 0 : i32
    %c0_i32_0 = arith.constant 0 : i32
    %c0_i32_1 = arith.constant 0 : i32
    %c0_i32_2 = arith.constant 0 : i32
    return %arg0, %c0_i32, %c0_i32_0, %c0_i32_1 : i32, i32, i32, i32
  }
  func.func @transform_1(%arg0: i32) -> (i32, i32, i32) {
    %c0_i32 = arith.constant 0 : i32
    %c0_i32_0 = arith.constant 0 : i32
    %c0_i32_1 = arith.constant 0 : i32
    return %arg0, %c0_i32, %c0_i32_0 : i32, i32, i32
  }
  func.func @transform_2(%arg0: i32) -> (i32, i32) {
    %c0_i32 = arith.constant 0 : i32
    %c0_i32_0 = arith.constant 0 : i32
    %c0_i32_1 = arith.constant 0 : i32
    return %c0_i32, %c0_i32_0 : i32, i32
  }
  func.func @transform_3(%arg0: i32) -> (i32, i32) {
    %c0_i32 = arith.constant 0 : i32
    %c0_i32_0 = arith.constant 0 : i32
    %c0_i32_1 = arith.constant 0 : i32
    return %c0_i32, %c0_i32_0 : i32, i32
  }
  func.func @transform_4(%arg0: i32) -> (i32, i32) {
    %c0_i32 = arith.constant 0 : i32
    %c0_i32_0 = arith.constant 0 : i32
    %c0_i32_1 = arith.constant 0 : i32
    return %c0_i32, %c0_i32_0 : i32, i32
  }
  func.func @transform_5(%arg0: i32) -> (i32, i32) {
    %c0_i32 = arith.constant 0 : i32
    %c0_i32_0 = arith.constant 0 : i32
    %c0_i32_1 = arith.constant 0 : i32
    return %c0_i32, %c0_i32_0 : i32, i32
  }
  func.func @transform_6(%arg0: i32) -> (i32, i32) {
    %c0_i32 = arith.constant 0 : i32
    %c0_i32_0 = arith.constant 0 : i32
    %c0_i32_1 = arith.constant 0 : i32
    return %c0_i32, %c0_i32_0 : i32, i32
  }
  func.func @transform_7(%arg0: i32) -> (i32, i32) {
    %c0_i32 = arith.constant 0 : i32
    %c0_i32_0 = arith.constant 0 : i32
    %c0_i32_1 = arith.constant 0 : i32
    return %c0_i32, %c0_i32_0 : i32, i32
  }
  func.func @transform_8(%arg0: i32) -> (i32, i32) {
    %c0_i32 = arith.constant 0 : i32
    %c0_i32_0 = arith.constant 0 : i32
    %c0_i32_1 = arith.constant 0 : i32
    return %c0_i32, %c0_i32_0 : i32, i32
  }
  func.func @transform_9(%arg0: i32) -> (i32, i32) {
    %c0_i32 = arith.constant 0 : i32
    %c0_i32_0 = arith.constant 0 : i32
    %c0_i32_1 = arith.constant 0 : i32
    return %c0_i32, %c0_i32_0 : i32, i32
  }
  func.func @transform_10(%arg0: i32) -> (i32, i32, i32) {
    %c0_i32 = arith.constant 0 : i32
    %c0_i32_0 = arith.constant 0 : i32
    %c0_i32_1 = arith.constant 0 : i32
    return %arg0, %c0_i32, %c0_i32_0 : i32, i32, i32
  }
  func.func @transform_11(%arg0: i32) -> (i32, i32, i32) {
    %c0_i32 = arith.constant 0 : i32
    %c0_i32_0 = arith.constant 0 : i32
    %c0_i32_1 = arith.constant 0 : i32
    return %arg0, %c0_i32, %c0_i32_0 : i32, i32, i32
  }
  func.func @transform_12(%arg0: i32) -> (i32, i32, i32) {
    %c0_i32 = arith.constant 0 : i32
    %c0_i32_0 = arith.constant 0 : i32
    %c0_i32_1 = arith.constant 0 : i32
    return %arg0, %c0_i32, %c0_i32_0 : i32, i32, i32
  }
  func.func @transform_13(%arg0: i32) -> (i32, i32) {
    %c0_i32 = arith.constant 0 : i32
    %c0_i32_0 = arith.constant 0 : i32
    %c0_i32_1 = arith.constant 0 : i32
    return %c0_i32, %c0_i32_0 : i32, i32
  }
  func.func @transform_14(%arg0: i32) -> (i32, i32) {
    %c0_i32 = arith.constant 0 : i32
    %c0_i32_0 = arith.constant 0 : i32
    %c0_i32_1 = arith.constant 0 : i32
    return %c0_i32, %c0_i32_0 : i32, i32
  }
}

module attributes {stable_mosaic.version = 14 : i64} {
  func.func @_bn1_body(%arg0: i32, %arg1: memref<1x1000x64xf32, #tpu.memory_space<vmem>>, %arg2: memref<1000x64xf32, #tpu.memory_space<vmem>>, %arg3: memref<1x64xf32, #tpu.memory_space<vmem>>, %arg4: memref<1x64xf32, #tpu.memory_space<vmem>>, %arg5: memref<1x1000x64xf32, #tpu.memory_space<vmem>>, %arg6: memref<8x64xf32, #tpu.memory_space<vmem>>, %arg7: memref<8x64xf32, #tpu.memory_space<vmem>>) attributes {dimension_semantics = [#tpu.dimension_semantics<arbitrary>], iteration_bounds = array<i64: 128>, scalar_prefetch = 0 : i64, scratch_operands = 0 : i64, tpu.core_type = #tpu.core_type<tc>, window_params = [{transform_indices = @transform_0, window_bounds = array<i64: 1, 1000, 64>}, {pipeline_mode = #tpu.pipeline_mode<synchronous>, transform_indices = @transform_1, window_bounds = array<i64: 1000, 64>}, {pipeline_mode = #tpu.pipeline_mode<synchronous>, transform_indices = @transform_2, window_bounds = array<i64: 1, 64>}, {pipeline_mode = #tpu.pipeline_mode<synchronous>, transform_indices = @transform_3, window_bounds = array<i64: 1, 64>}, {transform_indices = @transform_4, window_bounds = array<i64: 1, 1000, 64>}, {pipeline_mode = #tpu.pipeline_mode<synchronous>, transform_indices = @transform_5, window_bounds = array<i64: 8, 64>}, {pipeline_mode = #tpu.pipeline_mode<synchronous>, transform_indices = @transform_6, window_bounds = array<i64: 8, 64>}]} {
    %get3A = arith.constant 0 : index
    %get3A_0 = arith.constant 0 : index
    %get3A_1 = arith.constant 0 : index
    %get3A_2 = vector.load %arg1[%get3A, %get3A_0, %get3A_1] : memref<1x1000x64xf32, #tpu.memory_space<vmem>>, vector<1x1000x64xf32>
    %get3A_3 = vector.shape_cast %get3A_2 : vector<1x1000x64xf32> to vector<1000x64xf32>
    %get3A_4 = arith.constant 0 : index
    %get3A_5 = arith.constant 0 : index
    %get3A_6 = vector.load %arg3[%get3A_4, %get3A_5] : memref<1x64xf32, #tpu.memory_space<vmem>>, vector<1x64xf32>
    %mul3A = vector.broadcast %get3A_6 : vector<1x64xf32> to vector<1000x64xf32>
    %mul3A_7 = arith.mulf %get3A_3, %mul3A : vector<1000x64xf32>
    %get3A_8 = arith.constant 0 : index
    %get3A_9 = arith.constant 0 : index
    %get3A_10 = vector.load %arg4[%get3A_8, %get3A_9] : memref<1x64xf32, #tpu.memory_space<vmem>>, vector<1x64xf32>
    %add3A = vector.broadcast %get3A_10 : vector<1x64xf32> to vector<1000x64xf32>
    %add3A_11 = arith.addf %mul3A_7, %add3A : vector<1000x64xf32>
    %max3A = arith.constant 0.000000e+00 : f32
    %max3A_12 = vector.broadcast %max3A : f32 to vector<1000x64xf32>
    %max3A_13 = arith.maximumf %add3A_11, %max3A_12 : vector<1000x64xf32>
    %get3A_14 = arith.constant 0 : index
    %get3A_15 = arith.constant 0 : index
    %get3A_16 = vector.load %arg2[%get3A_14, %get3A_15] : memref<1000x64xf32, #tpu.memory_space<vmem>>, vector<1000x64xf32>
    %mul3A_17 = arith.mulf %max3A_13, %get3A_16 : vector<1000x64xf32>
    %swap3A = arith.constant 0 : index
    %swap3A_18 = arith.constant 0 : index
    %swap3A_19 = arith.constant 0 : index
    %swap3A_20 = vector.load %arg5[%swap3A, %swap3A_18, %swap3A_19] : memref<1x1000x64xf32, #tpu.memory_space<vmem>>, vector<1x1000x64xf32>
    %swap3A_21 = vector.shape_cast %swap3A_20 : vector<1x1000x64xf32> to vector<1000x64xf32>
    %swap3A_22 = vector.shape_cast %mul3A_17 : vector<1000x64xf32> to vector<1x1000x64xf32>
    tpu.vector_store %arg5[%swap3A, %swap3A_18, %swap3A_19], %swap3A_22 {strides = array<i32>} : memref<1x1000x64xf32, #tpu.memory_space<vmem>>, vector<1x1000x64xf32>,
    %eq3A = arith.constant 0 : i32
    %eq3A_23 = arith.cmpi eq, %arg0, %eq3A : i32
    %convert_element_type3A = arith.extui %eq3A_23 : i1 to i32
    %cond3A = arith.constant 0 : i32
    %cond3A_24 = arith.cmpi ne, %convert_element_type3A, %cond3A : i32
    scf.if %cond3A_24 {
      %broadcast_in_dim3A = arith.constant 0.000000e+00 : f32
      %broadcast_in_dim3A_44 = vector.broadcast %broadcast_in_dim3A : f32 to vector<8x64xf32>
      %swap3A_45 = arith.constant 0 : index
      %swap3A_46 = arith.constant 0 : index
      %swap3A_47 = vector.load %arg6[%swap3A_45, %swap3A_46] : memref<8x64xf32, #tpu.memory_space<vmem>>, vector<8x64xf32>
      tpu.vector_store %arg6[%swap3A_45, %swap3A_46], %broadcast_in_dim3A_44 {strides = array<i32>} : memref<8x64xf32, #tpu.memory_space<vmem>>, vector<8x64xf32>,
      %broadcast_in_dim3A_48 = arith.constant 0.000000e+00 : f32
      %broadcast_in_dim3A_49 = vector.broadcast %broadcast_in_dim3A_48 : f32 to vector<8x64xf32>
      %swap3A_50 = arith.constant 0 : index
      %swap3A_51 = arith.constant 0 : index
      %swap3A_52 = vector.load %arg7[%swap3A_50, %swap3A_51] : memref<8x64xf32, #tpu.memory_space<vmem>>, vector<8x64xf32>
      tpu.vector_store %arg7[%swap3A_50, %swap3A_51], %broadcast_in_dim3A_49 {strides = array<i32>} : memref<8x64xf32, #tpu.memory_space<vmem>>, vector<8x64xf32>,
    } else {
    }
    %get3A_25 = arith.constant 0 : index
    %get3A_26 = arith.constant 0 : index
    %get3A_27 = vector.load %arg6[%get3A_25, %get3A_26] : memref<8x64xf32, #tpu.memory_space<vmem>>, vector<8x64xf32>
    %reshape3A = vector.shape_cast %mul3A_17 : vector<1000x64xf32> to vector<125x8x64xf32>
    %reduce_sum3A = arith.constant dense<0.000000e+00> : vector<8x64xf32>
    %reduce_sum3A_28 = vector.multi_reduction <add>, %reshape3A, %reduce_sum3A [0] : vector<125x8x64xf32> to vector<8x64xf32>
    %add3A_29 = arith.addf %get3A_27, %reduce_sum3A_28 : vector<8x64xf32>
    %swap3A_30 = arith.constant 0 : index
    %swap3A_31 = arith.constant 0 : index
    %swap3A_32 = vector.load %arg6[%swap3A_30, %swap3A_31] : memref<8x64xf32, #tpu.memory_space<vmem>>, vector<8x64xf32>
    tpu.vector_store %arg6[%swap3A_30, %swap3A_31], %add3A_29 {strides = array<i32>} : memref<8x64xf32, #tpu.memory_space<vmem>>, vector<8x64xf32>,
    %get3A_33 = arith.constant 0 : index
    %get3A_34 = arith.constant 0 : index
    %get3A_35 = vector.load %arg7[%get3A_33, %get3A_34] : memref<8x64xf32, #tpu.memory_space<vmem>>, vector<8x64xf32>
    %mul3A_36 = arith.mulf %mul3A_17, %mul3A_17 : vector<1000x64xf32>
    %reshape3A_37 = vector.shape_cast %mul3A_36 : vector<1000x64xf32> to vector<125x8x64xf32>
    %reduce_sum3A_38 = arith.constant dense<0.000000e+00> : vector<8x64xf32>
    %reduce_sum3A_39 = vector.multi_reduction <add>, %reshape3A_37, %reduce_sum3A_38 [0] : vector<125x8x64xf32> to vector<8x64xf32>
    %add3A_40 = arith.addf %get3A_35, %reduce_sum3A_39 : vector<8x64xf32>
    %swap3A_41 = arith.constant 0 : index
    %swap3A_42 = arith.constant 0 : index
    %swap3A_43 = vector.load %arg7[%swap3A_41, %swap3A_42] : memref<8x64xf32, #tpu.memory_space<vmem>>, vector<8x64xf32>
    tpu.vector_store %arg7[%swap3A_41, %swap3A_42], %add3A_40 {strides = array<i32>} : memref<8x64xf32, #tpu.memory_space<vmem>>, vector<8x64xf32>,
    return
  }
  func.func @transform_0(%arg0: i32) -> (i32, i32, i32) {
    %c0_i32 = arith.constant 0 : i32
    %c0_i32_0 = arith.constant 0 : i32
    %c0_i32_1 = arith.constant 0 : i32
    return %arg0, %c0_i32, %c0_i32_0 : i32, i32, i32
  }
  func.func @transform_1(%arg0: i32) -> (i32, i32) {
    %c0_i32 = arith.constant 0 : i32
    %c0_i32_0 = arith.constant 0 : i32
    %c0_i32_1 = arith.constant 0 : i32
    return %c0_i32, %c0_i32_0 : i32, i32
  }
  func.func @transform_2(%arg0: i32) -> (i32, i32) {
    %c0_i32 = arith.constant 0 : i32
    %c0_i32_0 = arith.constant 0 : i32
    %c0_i32_1 = arith.constant 0 : i32
    return %c0_i32, %c0_i32_0 : i32, i32
  }
  func.func @transform_3(%arg0: i32) -> (i32, i32) {
    %c0_i32 = arith.constant 0 : i32
    %c0_i32_0 = arith.constant 0 : i32
    %c0_i32_1 = arith.constant 0 : i32
    return %c0_i32, %c0_i32_0 : i32, i32
  }
  func.func @transform_4(%arg0: i32) -> (i32, i32, i32) {
    %c0_i32 = arith.constant 0 : i32
    %c0_i32_0 = arith.constant 0 : i32
    %c0_i32_1 = arith.constant 0 : i32
    return %arg0, %c0_i32, %c0_i32_0 : i32, i32, i32
  }
  func.func @transform_5(%arg0: i32) -> (i32, i32) {
    %c0_i32 = arith.constant 0 : i32
    %c0_i32_0 = arith.constant 0 : i32
    %c0_i32_1 = arith.constant 0 : i32
    return %c0_i32, %c0_i32_0 : i32, i32
  }
  func.func @transform_6(%arg0: i32) -> (i32, i32) {
    %c0_i32 = arith.constant 0 : i32
    %c0_i32_0 = arith.constant 0 : i32
    %c0_i32_1 = arith.constant 0 : i32
    return %c0_i32, %c0_i32_0 : i32, i32
  }
}

module attributes {stable_mosaic.version = 14 : i64} {
  func.func @_head_body(%arg0: i32, %arg1: memref<1x1000x64xf32, #tpu.memory_space<vmem>>, %arg2: memref<1x64xf32, #tpu.memory_space<vmem>>, %arg3: memref<1x64xf32, #tpu.memory_space<vmem>>, %arg4: memref<64x1xf32, #tpu.memory_space<vmem>>, %arg5: memref<1x1xf32, #tpu.memory_space<vmem>>, %arg6: memref<1x1000x1xf32, #tpu.memory_space<vmem>>) attributes {dimension_semantics = [#tpu.dimension_semantics<arbitrary>], iteration_bounds = array<i64: 128>, scalar_prefetch = 0 : i64, scratch_operands = 0 : i64, tpu.core_type = #tpu.core_type<tc>, window_params = [{transform_indices = @transform_0, window_bounds = array<i64: 1, 1000, 64>}, {pipeline_mode = #tpu.pipeline_mode<synchronous>, transform_indices = @transform_1, window_bounds = array<i64: 1, 64>}, {pipeline_mode = #tpu.pipeline_mode<synchronous>, transform_indices = @transform_2, window_bounds = array<i64: 1, 64>}, {pipeline_mode = #tpu.pipeline_mode<synchronous>, transform_indices = @transform_3, window_bounds = array<i64: 64, 1>}, {pipeline_mode = #tpu.pipeline_mode<synchronous>, transform_indices = @transform_4, window_bounds = array<i64: 1, 1>}, {transform_indices = @transform_5, window_bounds = array<i64: 1, 1000, 1>}]} {
    %get3A = arith.constant 0 : index
    %get3A_0 = arith.constant 0 : index
    %get3A_1 = arith.constant 0 : index
    %get3A_2 = vector.load %arg1[%get3A, %get3A_0, %get3A_1] : memref<1x1000x64xf32, #tpu.memory_space<vmem>>, vector<1x1000x64xf32>
    %get3A_3 = vector.shape_cast %get3A_2 : vector<1x1000x64xf32> to vector<1000x64xf32>
    %get3A_4 = arith.constant 0 : index
    %get3A_5 = arith.constant 0 : index
    %get3A_6 = vector.load %arg2[%get3A_4, %get3A_5] : memref<1x64xf32, #tpu.memory_space<vmem>>, vector<1x64xf32>
    %mul3A = vector.broadcast %get3A_6 : vector<1x64xf32> to vector<1000x64xf32>
    %mul3A_7 = arith.mulf %get3A_3, %mul3A : vector<1000x64xf32>
    %get3A_8 = arith.constant 0 : index
    %get3A_9 = arith.constant 0 : index
    %get3A_10 = vector.load %arg3[%get3A_8, %get3A_9] : memref<1x64xf32, #tpu.memory_space<vmem>>, vector<1x64xf32>
    %add3A = vector.broadcast %get3A_10 : vector<1x64xf32> to vector<1000x64xf32>
    %add3A_11 = arith.addf %mul3A_7, %add3A : vector<1000x64xf32>
    %max3A = arith.constant 0.000000e+00 : f32
    %max3A_12 = vector.broadcast %max3A : f32 to vector<1000x64xf32>
    %max3A_13 = arith.maximumf %add3A_11, %max3A_12 : vector<1000x64xf32>
    %get3A_14 = arith.constant 0 : index
    %get3A_15 = arith.constant 0 : index
    %get3A_16 = vector.load %arg4[%get3A_14, %get3A_15] : memref<64x1xf32, #tpu.memory_space<vmem>>, vector<64x1xf32>
    %dot_general3A = arith.constant dense<0.000000e+00> : vector<1000x1xf32>
    %dot_general3A_17 = tpu.matmul %max3A_13, %get3A_16, %dot_general3A {dimension_numbers = #tpu.dot_dimension_numbers<[1], [0], [0], [1], [0, 0, 1, 1], [], []>, transpose_lhs_hint = false} : vector<1000x64xf32>, vector<64x1xf32>, vector<1000x1xf32> -> vector<1000x1xf32>
    %get3A_18 = arith.constant 0 : index
    %get3A_19 = arith.constant 0 : index
    %get3A_20 = vector.load %arg5[%get3A_18, %get3A_19] : memref<1x1xf32, #tpu.memory_space<vmem>>, vector<1x1xf32>
    %add3A_21 = vector.broadcast %get3A_20 : vector<1x1xf32> to vector<1000x1xf32>
    %add3A_22 = arith.addf %dot_general3A_17, %add3A_21 : vector<1000x1xf32>
    %swap3A = arith.constant 0 : index
    %swap3A_23 = arith.constant 0 : index
    %swap3A_24 = arith.constant 0 : index
    %swap3A_25 = vector.load %arg6[%swap3A, %swap3A_23, %swap3A_24] : memref<1x1000x1xf32, #tpu.memory_space<vmem>>, vector<1x1000x1xf32>
    %swap3A_26 = vector.shape_cast %swap3A_25 : vector<1x1000x1xf32> to vector<1000x1xf32>
    %swap3A_27 = vector.shape_cast %add3A_22 : vector<1000x1xf32> to vector<1x1000x1xf32>
    tpu.vector_store %arg6[%swap3A, %swap3A_23, %swap3A_24], %swap3A_27 {strides = array<i32>} : memref<1x1000x1xf32, #tpu.memory_space<vmem>>, vector<1x1000x1xf32>,
    return
  }
  func.func @transform_0(%arg0: i32) -> (i32, i32, i32) {
    %c0_i32 = arith.constant 0 : i32
    %c0_i32_0 = arith.constant 0 : i32
    %c0_i32_1 = arith.constant 0 : i32
    return %arg0, %c0_i32, %c0_i32_0 : i32, i32, i32
  }
  func.func @transform_1(%arg0: i32) -> (i32, i32) {
    %c0_i32 = arith.constant 0 : i32
    %c0_i32_0 = arith.constant 0 : i32
    %c0_i32_1 = arith.constant 0 : i32
    return %c0_i32, %c0_i32_0 : i32, i32
  }
  func.func @transform_2(%arg0: i32) -> (i32, i32) {
    %c0_i32 = arith.constant 0 : i32
    %c0_i32_0 = arith.constant 0 : i32
    %c0_i32_1 = arith.constant 0 : i32
    return %c0_i32, %c0_i32_0 : i32, i32
  }
  func.func @transform_3(%arg0: i32) -> (i32, i32) {
    %c0_i32 = arith.constant 0 : i32
    %c0_i32_0 = arith.constant 0 : i32
    %c0_i32_1 = arith.constant 0 : i32
    return %c0_i32, %c0_i32_0 : i32, i32
  }
  func.func @transform_4(%arg0: i32) -> (i32, i32) {
    %c0_i32 = arith.constant 0 : i32
    %c0_i32_0 = arith.constant 0 : i32
    %c0_i32_1 = arith.constant 0 : i32
    return %c0_i32, %c0_i32_0 : i32, i32
  }
  func.func @transform_5(%arg0: i32) -> (i32, i32, i32) {
    %c0_i32 = arith.constant 0 : i32
    %c0_i32_0 = arith.constant 0 : i32
    %c0_i32_1 = arith.constant 0 : i32
    return %arg0, %c0_i32, %c0_i32_0 : i32, i32, i32
  }
}

</mosaic_0001>

<sc_bundles>
// kernel: kernel.8.cloned.1.call-start
scs
__scs_entry_jumppad:
0x0: {  	(pc) =	sbr.rel $0x88, $3  }
0x1: {  	(tag) =	ssettag $0x0;
	lr =	simm.s32 $0x1  }
0x2: {  	[smem:$0x3F93] =	sst lr;
	_ =	strace $0xD0000000  }
0x3: {  	_ = 	snop  }
0x4: {  	_ = 	snop  }
0x5: {  	_ = 	snop  }
0x6: {  	_ = 	snop  }
0x7: {  	_ = 	snop  }
__scs_overlays_trampoline_lowered:
0x8: {  	[smem:$0x3FA2] =	sst s0  }
0x9: {  	[smem:$0x3FA3] =	sst s1  }
0xa: {  	[smem:$0x3FA4] =	sst s2  }
0xb: {  	[smem:$0x3FA5] =	sst s3  }
0xc: {  	[smem:$0x3FA6] =	sst s4  }
0xd: {  	[smem:$0x3FA7] =	sst s5  }
0xe: {  	[smem:$0x3FA8] =	sst s6  }
0xf: {  	[smem:$0x3FA9] =	sst s7  }
0x10: {  	[smem:$0x3FAA] =	sst s8  }
0x11: {  	[smem:$0x3FAB] =	sst s9;
	s0 =	simm.s32 @!p0 $0x0  }
0x12: {  	s1 =	sld [smem:$0x3F91];
	s0 =	simm.s32 @p0 $0x1  }
0x13: {  	[smem:$0x3FAC] =	sst s0;
	s0 =	simm.s32 @!p1 $0x0  }
0x14: {  	s2 =	sld [smem:$0x3F90];
	s0 =	simm.s32 @p1 $0x1  }
0x15: {  	[smem:$0x3FAD] =	sst s0;
	s0 =	simm.s32 @!p2 $0x0  }
0x16: {  	s3 =	sld [smem:$0x3FDB];
	s0 =	simm.s32 @p2 $0x1  }
0x17: {  	s4 =	simm.s32 $0x1BF5;
	[smem:$0x3FAF] =	sst s0  }
0x18: {  	s0 =	sld [smem:$0x3F92];
	_ =	swait.ge [sflag:s4], $0x0  }
0x19: {  	s7 =	sld [smem:$0x3F93]  }
0x1a: {  	s8 =	sadd.s32 $0xFFFFE003, lr  }
0x1b: {  	s9 =	sadd.s32 $0xFFFFFEF7, lr;
	s5 =	simm.s32 $0xFFFFFFFF;
	p2 =	slt.u32 s8, $0xFFFFF086  }
0x1c: {  	p1 =	slt.u32 s9, $0xF7A;
	s5 =	simm.s32 @!p2 $0x0  }
0x1d: {  	s5 =	simm.s32 @p1 $0x1;
	p0 =	seq.s32 s7, s2  }
0x1e: {  	s7 =	smul.u32 @!p0 $0xF7A, s2;
	p2 =	seq.s32 @!p0 s5, $0x0  }
0x1f: {  	s9 =	smul.u32 $0xF7A, s1;
	s8 =	simm.s32 @!p0 $0x1BF5;
	p2 =	por !p2, p0  }
0x20: {  	[sflag:s8] =	ssyncset.s32 @!p0 $0xFFFFF086;
	s6 =	sadd.s32 @!p0 s3, s7;
	s7 =	simm.s32 @!p0 $0x108  }
0x21: {  	s3 =	sadd.s32 s3, s9;
	s6 =	sadd.s32 @!p0 $0x88, s6;
	s7 =	simm.s32 @p2 $0x1082  }
0x22: {  	[simem:s7], [sflag:s8] =	dma.local @!p0 [hbm:s6], $0xF7A  }
0x23: {  	s9 =	sor.u32 $0xD0000000, s2;
	s6 =	simm.s32 $0x108;
	_ =	swait.ge @!p0 [sflag:s8], $0x0  }
0x24: {  	s3 =	sadd.s32 $0x88, s3;
	s6 =	simm.s32 @!p1 $0x1082;
	[sflag:s4] =	ssyncset.s32 $0xFFFFF086  }
0x25: {  	[simem:s6], [sflag:s4] =	dma.local [hbm:s3], $0xF7A  }
0x26: {  	[smem:$0x3F93] =	sst s1;
	(tag) =	ssettag s2;
	_ =	strace s9  }
0x27: {  	s1 =	sld [smem:$0x3FA3]  }
0x28: {  	s2 =	sld [smem:$0x3FA4]  }
0x29: {  	s4 =	sld [smem:$0x3FA6]  }
0x2a: {  	p0 =	seq.s32 s5, $0x0;
	s5 =	sld [smem:$0x3FA7]  }
0x2b: {  	s6 =	sld [smem:$0x3FA8]  }
0x2c: {  	s7 =	sld [smem:$0x3FA9]  }
0x2d: {  	s3 =	simm.s32 $0x108;
	s8 =	sld [smem:$0x3FAA]  }
0x2e: {  	s3 =	simm.s32 @!p0 $0x1082;
	s9 =	sld [smem:$0x3FAB]  }
0x2f: {  	lr =	sadd.s32 s0, s3;
	s0 =	sld [smem:$0x3FA2]  }
0x30: {  	s3 =	sld [smem:$0x3FA5]  }
0x31: {  	[smem:$0x3FAE] =	sst s10  }
0x32: {  	s10 =	sld [smem:$0x3FAC];
	_ =	sdelay $0x3  }
0x33: {  	p0 =	seq.s32 s10, $0x1;
	s10 =	sld [smem:$0x3FAE];
	_ =	sdelay $0x3  }
0x34: {  	[smem:$0x3FAE] =	sst s10  }
0x35: {  	s10 =	sld [smem:$0x3FAD];
	_ =	sdelay $0x3  }
0x36: {  	p1 =	seq.s32 s10, $0x1;
	s10 =	sld [smem:$0x3FAE];
	_ =	sdelay $0x3  }
0x37: {  	[smem:$0x3FAE] =	sst s10  }
0x38: {  	s10 =	sld [smem:$0x3FAF]  }
0x39: {  	_ = 	snop;
	(pc) =	sbr.ind lr, $3  }
0x3a: {  	_ = 	snop  }
0x3b: {  	_ = 	snop  }
0x3c: {  	p2 =	seq.s32 s10, $0x1;
	s10 =	sld [smem:$0x3FAE]  }
0x3d: {  	_ =	shalt  }
0x3e: {  	_ =	shalt  }
0x3f: {  	_ =	shalt  }
0x40: {  	_ =	shalt  }
0x41: {  	_ =	shalt  }
0x42: {  	_ =	shalt  }
0x43: {  	_ =	shalt  }
0x44: {  	_ =	shalt  }
0x45: {  	_ =	shalt  }
0x46: {  	_ =	shalt  }
0x47: {  	_ =	shalt  }
0x48: {  	_ =	shalt  }
0x49: {  	_ =	shalt  }
0x4a: {  	_ =	shalt  }
0x4b: {  	_ =	shalt  }
0x4c: {  	_ =	shalt  }
0x4d: {  	_ =	shalt  }
0x4e: {  	_ =	shalt  }
0x4f: {  	_ =	shalt  }
0x50: {  	_ =	shalt  }
0x51: {  	_ =	shalt  }
0x52: {  	_ =	shalt  }
0x53: {  	_ =	shalt  }
0x54: {  	_ =	shalt  }
0x55: {  	_ =	shalt  }
0x56: {  	_ =	shalt  }
0x57: {  	_ =	shalt  }
0x58: {  	_ =	shalt  }
0x59: {  	_ =	shalt  }
0x5a: {  	_ =	shalt  }
0x5b: {  	_ =	shalt  }
0x5c: {  	_ =	shalt  }
0x5d: {  	_ =	shalt  }
0x5e: {  	_ =	shalt  }
0x5f: {  	_ =	shalt  }
0x60: {  	_ =	shalt  }
0x61: {  	_ =	shalt  }
0x62: {  	_ =	shalt  }
0x63: {  	_ =	shalt  }
0x64: {  	_ =	shalt  }
0x65: {  	_ =	shalt  }
0x66: {  	_ =	shalt  }
0x67: {  	_ =	shalt  }
0x68: {  	_ =	shalt  }
0x69: {  	_ =	shalt  }
0x6a: {  	_ =	shalt  }
0x6b: {  	_ =	shalt  }
0x6c: {  	_ =	shalt  }
0x6d: {  	_ =	shalt  }
0x6e: {  	_ =	shalt  }
0x6f: {  	_ =	shalt  }
0x70: {  	_ =	shalt  }
0x71: {  	_ =	shalt  }
0x72: {  	_ =	shalt  }
0x73: {  	_ =	shalt  }
0x74: {  	_ =	shalt  }
0x75: {  	_ =	shalt  }
0x76: {  	_ =	shalt  }
0x77: {  	_ =	shalt  }
0x78: {  	_ =	shalt  }
0x79: {  	_ =	shalt  }
0x7a: {  	_ =	shalt  }
0x7b: {  	_ =	shalt  }
0x7c: {  	_ =	shalt  }
0x7d: {  	_ =	shalt  }
0x7e: {  	_ =	shalt  }
0x7f: {  	_ =	shalt  }
0x80: {  	_ =	shalt  }
0x81: {  	_ =	shalt  }
0x82: {  	_ =	shalt  }
0x83: {  	_ =	shalt  }
0x84: {  	_ =	shalt  }
0x85: {  	_ =	shalt  }
0x86: {  	_ =	shalt  }
0x87: {  	_ =	shalt  }
.Lfunc_end0:
.L_simem_size_0:
called_computation_lowered:
.L_overlay_start_0:
0x88: {  	s2 =	sld [smem:$0x3FD9]  }
0x89: {  	s3 =	sld [smem:$0x3FFE];
	_ =	sdelay $0x1  }
0x8a: {  	s1 =	srdreg.scid  }
0x8b: {  	s0 =	sand.u32 $0x1, s1  }
0x8c: {  	s16 =	sshll.u32 s0, $0xA;
	s2 =	sadd.s32 s3, s2  }
0x8d: {  	s2 =	sadd.s32 s2, s16  }
0x8e: {  	[smem:$0x3FBA] =	sst s2  }
0x8f: {  	_ = 	snop  }
0x90: {  	(tm) =	ssettm $0x1  }
0x91: {  	s17 =	sld [smem:$0x3FFB];
	_ =	sdelay $0x3  }
0x92: {  	_ =	strace s17  }
0x93: {  	s2 =	sld [smem:$0x3FFC];
	_ =	sdelay $0x3  }
0x94: {  	_ =	strace s2  }
0x95: {  	s2 =	sld [smem:$0x3FFD];
	_ =	sdelay $0x3  }
0x96: {  	_ =	strace s2  }
0x97: {  	_ =	strace $0x8FFFFFFF  }
0x98: {  	s18 =	sld [smem:$0x3FDB];
	_ =	sdelay $0x1  }
0x99: {  	s19 =	simm.s32 $_scs_section_size  }
0x9a: {  	s4 =	simm.s32 $_size__tile_overlayer_lowered;
	s5 =	simm.s32 $_tile_overlayer_lowered  }
0x9b: {  	s22 =	simm.s32 $0x1BFF;
	s21 =	sshll.u32 s5, $0x1;
	s2 =	sadd.s32 s19, s18  }
0x9c: {  	s6 =	simm.s32 $0x0;
	s20 =	sshll.u32 s4, $0x1;
	s4 =	sadd.s32 s21, s2  }
0x9d: {  	[timem:s6], [sflag:s22] =	dma.local [hbm:s4], s20  }
0x9e: {  	_ =	swait.ge [sflag:s22], s20  }
0x9f: {  	s3 =	ssub.s32 $0x0, s20;
	[sflag:s22] =	ssyncset.done $0x0  }
0xa0: {  	[sflag:s22] =	ssyncadd.s32 s3;
	_ =	sdelay $0x1  }
0xa1: {  	s23 =	simm.s32 $0x1B8B  }
0xa2: {  	_ =	swait.ge [sflag:s23], $0x1  }
0xa3: {  	[sflag:s23] =	ssyncset.done $0x0  }
0xa4: {  	s25 =	simm.s32 $0x1B8E;
	s24 =	sld [smem:$0x3FFE];
	[sflag:s23] =	ssyncadd.s32 $0xFFFFFFFF  }
0xa5: {  	s26 =	simm.s32 $execute0_lowered;
	[smem:$0x3FD2] =	sst s25  }
0xa6: {  	s4 =	sshll.u32 s26, $0x1;
	_ =	strace $0x80000046;
	[dreg:$0x1] =	wrdreg $0xFFFFFFFF  }
0xa7: {  	s28 =	simm.s32 $_size_execute0_lowered;
	s2 =	sadd.s32 s2, s4;
	[dreg:$0x0] =	wrdreg $0x0  }
0xa8: {  	s4 =	sshll.u32 s28, $0x1;
	[dreg:$0x2] =	wrdreg s2  }
0xa9: {  	[dreg:$0x3] =	wrdreg s4  }
0xaa: {  	[dreg:$0x4] =	wrdreg $0xC0  }
0xab: {  	_ =	task [dreg:s6], $0x5FFFF  }
0xac: {  	[dreg:$0x1] =	wrdreg $0xFFFFFFFF  }
0xad: {  	[dreg:$0x0] =	wrdreg $0x60  }
0xae: {  	[dreg:$0x2] =	wrdreg s24  }
0xaf: {  	[dreg:$0x3] =	wrdreg $0x9  }
0xb0: {  	_ =	task.clear_ibuf [dreg:s6], $0x4FFFF;
	_ =	strace $0x90000046  }
0xb1: {  	s29 =	simm.s32 $0x9;
	_ =	strace $0x80000048  }
0xb2: {  	_ =	swait.ge [sflag:s29], $0x1  }
0xb3: {  	[sflag:s29] =	ssyncadd.s32 $0xFFFFFFFF  }
0xb4: {  	_ =	strace $0x90000048  }
0xb5: {  	_ =	sfence  }
0xb6: {  	s30 =	sld [smem:$0x0];
	_ =	sdelay $0x2  }
0xb7: {  	s31 =	sshll.u32 s1, $0xD;
	s1 =	sshrl.u32 s1, $0x2  }
0xb8: {  	s3 =	sand.u32 $0x4000, s31;
	s1 =	sadd.s32 s1, s30  }
0xb9: {  	s0 =	sor.u32 s3, s0;
	s1 =	sshll.u32 s1, $0x11  }
0xba: {  	s0 =	sor.u32 s1, s0  }
0xbb: {  	s0 =	sadd.s32 $0x8F2B, s0  }
0xbc: {  	[sflag:s0] =	ssyncadd.remote.s32 $0x1  }
0xbd: {  	_ =	sfence.sel $0xFFFF  }
0xbe: {  	[dreg:$0x0] =	wrdreg $0xFFFFFFFF;
	(pc) =	sbr.abs _section_cstart, $3  }
0xbf: {  	[dreg:$0x1] =	wrdreg $0xFFFFFFFF  }
0xc0: {  	_ =	task.clear_ibuf [dreg:s6], $0x2FFFF;
	_ =	strace $0x9FFFFFFF  }
0xc1: {  	(tm) =	ssettm $0x7FFFFFFF  }
tec
execute0_lowered:
.L_overlay_start_1:
0x0: {  	(tag) =	ssettag $0x1  }
0x1: {  	s0 =	rddreg [dreg:$0x0];
	s2 =	simm.s32 $0x0  }
0x2: {  	s3 =	srdreg.scid;
	s1 =	stileid.u32;
	s14 =	simm.s32 $0x400  }
0x3: {  	s15 =	simm.s32 $0x4400;
	s16 =	simm.s32 $0x8400;
	s17 =	simm.s32 $0x200  }
0x4: {  	s18 =	simm.s32 $0x280;
	s19 =	simm.s32 $0x300;
	s9 =	smul.u32 $0x4E2, s1  }
0x5: {  	s20 =	simm.s32 $0x2;
	s28 =	simm.s32 $0x0;
	s29 =	smul.u32 $0x4E20, s1  }
0x6: {  	[smem:$0x7FF] =	sst s2;
	s7 =	sand.u32 $0x1, s3;
	s13 =	smul.u32 $0x271000, s1  }
0x7: {  	s21 =	sshll.u32 s1, $0x1;
	s3 =	sadd.s32 $0x248A00, s0;
	s12 =	smul.u32 $0x271, s7  }
0x8: {  	s8 =	sadd.s32 $0x6800, s0;
	s10 =	sadd.s32 $0x630A00, s0;
	s31 =	smul.u32 $0x2710, s7  }
0x9: {  	s4 =	sor.u32 s7, s21;
	s5 =	ssub.s32 $0x2, s7;
	s7 =	smul.u32 $0x138800, s7  }
0xa: {  	_ =	strace $0x80000047;
	s6 =	smul.u32 $0x271, s4;
	s4 =	sshll.u32 s4, $0x4  }
0xb: {  	s21 =	simm.s32 $0xC400;
	s22 =	sshrl.u32 s5, $0x1;
	s4 =	sand.u32 $0x70, s4  }
0xc: {  	s0 =	ssub.s32 s5, s22;
	s9 =	sadd.s32 s12, s9;
	s12 =	sadd.s32 s29, s8  }
0xd: {  	s22 =	simm.s32 $0x10400;
	s6 =	sadd.s32 $0x270, s6;
	s4 =	sadd.s32 s8, s4  }
0xe: {  	s26 =	sshll.u32 s9, $0xB;
	s9 =	sshll.u32 s9, $0x4;
	s11 =	sshll.u32 s6, $0x4  }
0xf: {  	s24 =	sshll.u32 s6, $0xB;
	s6 =	smax.u32 s0, $0x1;
	s30 =	sadd.s32 s10, s26  }
0x10: {  	s9 =	sadd.s32 s8, s9;
	s8 =	sadd.s32 s31, s12;
	s12 =	simm.s32 $0x100  }
0x11: {  	s26 =	simm.s32 $0x4;
	s23 =	sand.u32 $0xFFF80, s11;
	s25 =	sadd.s32 s10, s24  }
0x12: {  	s0 =	sadd.s32 $0x1800, s30;
	s9 =	sadd.s32 $0x30, s9;
	s10 =	sadd.s32 s13, s10  }
0x13: {  	s11 =	simm.s32 $0x80;
	s13 =	simm.s32 $0x1;
	s24 =	simm.s32 $0x5  }
0x14: {  	s4 =	sadd.s32 s23, s4;
	[dreg:$0x3] =	wrdreg s25;
	s10 =	sadd.s32 s7, s10  }
0x15: {  	s23 =	simm.s32 $0x14400;
	s25 =	simm.s32 $0x3;
	[dreg:$0x2] =	wrdreg s4  }
.LBB2_1:
0x16: {  	s7 =	sadd.s32 $0x0, s8  }
0x17: {  	[tilespmem:s2], [sflag:$0x1] =	stream.linear.gather [hbm4b:s7+s2], $0x80, $0x38;
	[tilespmem:$0x18400] =	vst v63  }
0x18: {  	s29 =	sadd.s32 $0x10, s7  }
0x19: {  	[tilespmem:s11], [sflag:$0x1] =	stream.linear.gather [hbm4b:s29+s2], $0x80, $0x38;
	[tilespmem:$0x18400] =	vst v63  }
0x1a: {  	s29 =	sadd.s32 $0x20, s7  }
0x1b: {  	[tilespmem:s12], [sflag:$0x1] =	stream.linear.gather [hbm4b:s29+s2], $0x80, $0x38;
	[tilespmem:$0x18400] =	vst v63  }
0x1c: {  	_ =	swait.ge [sflag:s13], $0x180  }
0x1d: {  	p0 =	por $0x1, $0x1;
	[sflag:s13] =	ssyncset.done $0x0  }
0x1e: {  	s29 =	simm.s32 @!p0 $0x3;
	[sflag:s13] =	ssyncadd.s32 $0xFFFFFE80  }
0x1f: {  	_ =	swait.ge @!p0 [sflag:s29], $0xC000  }
0x20: {  	[sflag:s29] =	ssyncset.done @!p0 $0x0  }
0x21: {  	[sflag:s29] =	ssyncadd.s32 @!p0 $0xFFFF4000  }
0x22: {  	[tilespmem:s14], [sflag:$0x1] =	stream.indirect.gather [hbm4b:s3+s11], $0x80, s2, s11, $0xb8;
	[tilespmem:$0x18400] =	vst v63  }
0x23: {  	_ = 	snop  }
0x24: {  	[tilespmem:s15], [sflag:$0x1] =	stream.indirect.gather [hbm4b:s3+s11], $0x80, s11, s11, $0xb8;
	[tilespmem:$0x18400] =	vst v63  }
0x25: {  	_ = 	snop  }
0x26: {  	[tilespmem:s16], [sflag:$0x1] =	stream.indirect.gather [hbm4b:s3+s11], $0x80, s12, s11, $0xb8;
	[tilespmem:$0x18400] =	vst v63  }
0x27: {  	_ =	swait.ge [sflag:s13], $0xC000  }
0x28: {  	[sflag:s13] =	ssyncset.done $0x0  }
0x29: {  	[sflag:s13] =	ssyncadd.s32 $0xFFFF4000  }
0x2a: {  	[hbm4b:s10+s2] =	stream.linear.scatter [tilespmem:s14], [sflag:$0x3], $0xC000, $0x38;
	[tilespmem:$0x18400] =	vst v63  }
0x2b: {  	s29 =	sadd.s32 $0x0, s9  }
0x2c: {  	[tilespmem:s17], [sflag:$0x2] =	stream.linear.gather [hbm4b:s29+s2], $0x80, $0x38;
	[tilespmem:$0x18400] =	vst v63  }
0x2d: {  	s29 =	sadd.s32 $0x40, s7  }
0x2e: {  	[tilespmem:s18], [sflag:$0x2] =	stream.linear.gather [hbm4b:s29+s2], $0x80, $0x38;
	[tilespmem:$0x18400] =	vst v63  }
0x2f: {  	s7 =	sadd.s32 $0x50, s7  }
0x30: {  	[tilespmem:s19], [sflag:$0x2] =	stream.linear.gather [hbm4b:s7+s2], $0x80, $0x38;
	[tilespmem:$0x18400] =	vst v63  }
0x31: {  	_ =	swait.ge [sflag:s20], $0x180  }
0x32: {  	[sflag:s20] =	ssyncset.done $0x0  }
0x33: {  	s7 =	simm.s32 @!p0 $0x4;
	[sflag:s20] =	ssyncadd.s32 $0xFFFFFE80  }
0x34: {  	_ =	swait.ge @!p0 [sflag:s7], $0xC000  }
0x35: {  	[sflag:s7] =	ssyncset.done @!p0 $0x0  }
0x36: {  	[sflag:s7] =	ssyncadd.s32 @!p0 $0xFFFF4000  }
0x37: {  	[tilespmem:s21], [sflag:$0x2] =	stream.indirect.gather [hbm4b:s3+s11], $0x80, s17, s11, $0xb8;
	[tilespmem:$0x18400] =	vst v63  }
0x38: {  	_ = 	snop  }
0x39: {  	[tilespmem:s22], [sflag:$0x2] =	stream.indirect.gather [hbm4b:s3+s11], $0x80, s18, s11, $0xb8;
	[tilespmem:$0x18400] =	vst v63  }
0x3a: {  	_ = 	snop  }
0x3b: {  	[tilespmem:s23], [sflag:$0x2] =	stream.indirect.gather [hbm4b:s3+s11], $0x80, s19, s11, $0xb8;
	[tilespmem:$0x18400] =	vst v63  }
0x3c: {  	_ =	swait.ge [sflag:s20], $0xC000  }
0x3d: {  	s30 =	sadd.s32 $0x3000, s0;
	s31 =	sadd.s32 $0x3000, s10;
	[sflag:s20] =	ssyncset.done $0x0  }
0x3e: {  	s29 =	simm.s32 $0x60;
	s7 =	smov.u32 s0;
	[sflag:s20] =	ssyncadd.s32 $0xFFFF4000  }
.LBB2_2:
0x3f: {  	[hbm4b:s7+s2] =	stream.linear.scatter [tilespmem:s21], [sflag:$0x4], $0xC000, $0x38;
	[tilespmem:$0x18400] =	vst v63  }
0x40: {  	s1 =	sadd.s32 s29, s8;
	s4 =	smov.u32 s29;
	s29 =	sadd.s32 $0x60, s29  }
0x41: {  	[tilespmem:s2], [sflag:$0x1] =	stream.linear.gather [hbm4b:s1+s2], $0x80, $0x38;
	[tilespmem:$0x18400] =	vst v63  }
0x42: {  	s7 =	smov.u32 s30;
	s5 =	sadd.s32 $0x10, s1;
	p0 =	sne.s32 s29, $0x2700  }
0x43: {  	[tilespmem:s11], [sflag:$0x1] =	stream.linear.gather [hbm4b:s5+s2], $0x80, $0x38;
	[tilespmem:$0x18400] =	vst v63  }
0x44: {  	s5 =	sadd.s32 $0x20, s1  }
0x45: {  	[tilespmem:s12], [sflag:$0x1] =	stream.linear.gather [hbm4b:s5+s2], $0x80, $0x38;
	[tilespmem:$0x18400] =	vst v63  }
0x46: {  	_ =	swait.ge [sflag:s13], $0x180  }
0x47: {  	p1 =	seq.s32 s4, $0x0;
	[sflag:s13] =	ssyncset.done $0x0  }
0x48: {  	s5 =	simm.s32 @!p1 $0x3;
	[sflag:s13] =	ssyncadd.s32 $0xFFFFFE80  }
0x49: {  	_ =	swait.ge @!p1 [sflag:s5], $0xC000  }
0x4a: {  	[sflag:s5] =	ssyncset.done @!p1 $0x0  }
0x4b: {  	[sflag:s5] =	ssyncadd.s32 @!p1 $0xFFFF4000  }
0x4c: {  	[tilespmem:s14], [sflag:$0x1] =	stream.indirect.gather [hbm4b:s3+s11], $0x80, s2, s11, $0xb8;
	[tilespmem:$0x18400] =	vst v63  }
0x4d: {  	_ = 	snop  }
0x4e: {  	[tilespmem:s15], [sflag:$0x1] =	stream.indirect.gather [hbm4b:s3+s11], $0x80, s11, s11, $0xb8;
	[tilespmem:$0x18400] =	vst v63  }
0x4f: {  	_ = 	snop  }
0x50: {  	[tilespmem:s16], [sflag:$0x1] =	stream.indirect.gather [hbm4b:s3+s11], $0x80, s12, s11, $0xb8;
	[tilespmem:$0x18400] =	vst v63  }
0x51: {  	_ =	swait.ge [sflag:s13], $0xC000  }
0x52: {  	[sflag:s13] =	ssyncset.done $0x0  }
0x53: {  	[sflag:s13] =	ssyncadd.s32 $0xFFFF4000  }
0x54: {  	[hbm4b:s31+s2] =	stream.linear.scatter [tilespmem:s14], [sflag:$0x3], $0xC000, $0x38;
	[tilespmem:$0x18400] =	vst v63  }
0x55: {  	s4 =	sadd.s32 s4, s9  }
0x56: {  	[tilespmem:s17], [sflag:$0x2] =	stream.linear.gather [hbm4b:s4+s2], $0x80, $0x38;
	[tilespmem:$0x18400] =	vst v63  }
0x57: {  	s4 =	sadd.s32 $0x40, s1  }
0x58: {  	[tilespmem:s18], [sflag:$0x2] =	stream.linear.gather [hbm4b:s4+s2], $0x80, $0x38;
	[tilespmem:$0x18400] =	vst v63  }
0x59: {  	s1 =	sadd.s32 $0x50, s1  }
0x5a: {  	[tilespmem:s19], [sflag:$0x2] =	stream.linear.gather [hbm4b:s1+s2], $0x80, $0x38;
	[tilespmem:$0x18400] =	vst v63  }
0x5b: {  	_ =	swait.ge [sflag:s20], $0x180  }
0x5c: {  	[sflag:s20] =	ssyncset.done $0x0  }
0x5d: {  	s1 =	simm.s32 @!p1 $0x4;
	[sflag:s20] =	ssyncadd.s32 $0xFFFFFE80  }
0x5e: {  	_ =	swait.ge @!p1 [sflag:s1], $0xC000  }
0x5f: {  	[sflag:s1] =	ssyncset.done @!p1 $0x0  }
0x60: {  	[sflag:s1] =	ssyncadd.s32 @!p1 $0xFFFF4000  }
0x61: {  	[tilespmem:s21], [sflag:$0x2] =	stream.indirect.gather [hbm4b:s3+s11], $0x80, s17, s11, $0xb8;
	[tilespmem:$0x18400] =	vst v63  }
0x62: {  	_ = 	snop  }
0x63: {  	[tilespmem:s22], [sflag:$0x2] =	stream.indirect.gather [hbm4b:s3+s11], $0x80, s18, s11, $0xb8;
	[tilespmem:$0x18400] =	vst v63  }
.Ltmp0:
0x64: {  	(pc) =	sbr.rel @p0 .LBB2_2-.Ltmp0, $4  }
0x65: {  	[tilespmem:s23], [sflag:$0x2] =	stream.indirect.gather [hbm4b:s3+s11], $0x80, s19, s11, $0xb8;
	[tilespmem:$0x18400] =	vst v63  }
0x66: {  	_ =	swait.ge [sflag:s20], $0xC000  }
0x67: {  	[sflag:s20] =	ssyncset.done $0x0  }
0x68: {  	s30 =	sadd.s32 $0x3000, s30;
	s31 =	sadd.s32 $0x3000, s31;
	[sflag:s20] =	ssyncadd.s32 $0xFFFF4000  }
0x69: {  	[hbm4b:s7+s2] =	stream.linear.scatter [tilespmem:s21], [sflag:$0x4], $0xC000, $0x38;
	[tilespmem:$0x18400] =	vst v63  }
0x6a: {  	s1 =	rddreg [dreg:$0x2]  }
0x6b: {  	[tilespmem:s2], [sflag:$0x5] =	stream.linear.gather [hbm4b:s1+s2], $0x80, $0x38;
	[tilespmem:$0x18400] =	vst v63  }
0x6c: {  	_ =	swait.ge [sflag:s24], $0x80  }
0x6d: {  	[sflag:s24] =	ssyncset.done $0x0  }
0x6e: {  	[sflag:s24] =	ssyncadd.s32 $0xFFFFFF80  }
0x6f: {  	_ =	swait.ge [sflag:s25], $0xC000  }
0x70: {  	[sflag:s25] =	ssyncset.done $0x0  }
0x71: {  	[sflag:s25] =	ssyncadd.s32 $0xFFFF4000  }
0x72: {  	[tilespmem:s14], [sflag:$0x1] =	stream.indirect.gather [hbm4b:s3+s11], $0x80, s2, s11, $0xb8;
	[tilespmem:$0x18400] =	vst v63  }
0x73: {  	_ =	swait.ge [sflag:s13], $0x4000  }
0x74: {  	[sflag:s13] =	ssyncset.done $0x0  }
0x75: {  	s28 =	sadd.s32 $0x1, s28;
	s31 =	rddreg [dreg:$0x3];
	[sflag:s13] =	ssyncadd.s32 $0xFFFFC000  }
0x76: {  	[hbm4b:s31+s2] =	stream.linear.scatter [tilespmem:s14], [sflag:$0x5], $0x4000, $0x38;
	[tilespmem:$0x18400] =	vst v63  }
0x77: {  	p0 =	sne.s32 s28, s6;
	_ =	swait.ge [sflag:s24], $0x4000  }
.Ltmp1:
0x78: {  	[sflag:s24] =	ssyncset.done $0x0;
	(pc) =	sbr.rel @p0 .LBB2_1-.Ltmp1, $4  }
0x79: {  	[sflag:s24] =	ssyncadd.s32 $0xFFFFC000  }
0x7a: {  	_ =	swait.ge [sflag:s26], $0xC000  }
0x7b: {  	[sflag:s26] =	ssyncset.done $0x0  }
0x7c: {  	[sflag:s26] =	ssyncadd.s32 $0xFFFF4000  }
0x7d: {  	_ =	sfence.sel $0x180000  }
0x7e: {  	[bflag:$0x0] =	sbarrier.arrive $0xFFFF  }
0x7f: {  	_ =	strace $0x90000047  }
0x80: {  	s0 =	stileid.u32;
	[bflag:$0x2] =	sbarrier.arrive $0xFFFF  }
0x81: {  	p0 =	sne.s32 s0, $0x0;
	s0 =	rddreg [dreg:$0x1]  }
0x82: {  	s0 =	sadd.s32 @!p0 $0x100000, s0  }
0x83: {  	[sflag:s0] =	ssyncadd.tile.s32 @!p0 $0x1;
	_ =	shalt  }
.Lfunc_end2:
_tile_overlayer_lowered:
.L_overlay_start_2:
0x84: {  	(tag) =	ssettag $0x2  }
0x85: {  	s0 =	rddreg [dreg:$0x0];
	s2 =	stileid.u32  }
0x86: {  	s1 =	rddreg [dreg:$0x1];
	p0 =	sne.s32 s2, $0x0  }
0x87: {  	s3 =	rddreg [dreg:$0x2];
	[bflag:$0x3] =	sbarrier.arrive $0xFFFF;
	s2 =	simm.s32 @!p0 $0x1C05  }
0x88: {  	[timem:s3], [sflag:s2] =	dma.local @!p0 [hbm:s0], s1  }
0x89: {  	s0 =	simm.s32 @!p0 $0x5  }
0x8a: {  	_ =	swait.ge @!p0 [sflag:s0], s1  }
0x8b: {  	s1 =	ssub.s32 @!p0 $0x0, s1;
	[sflag:s0] =	ssyncset.done @!p0 $0x0  }
0x8c: {  	[sflag:s0] =	ssyncadd.s32 @!p0 s1  }
0x8d: {  	[bflag:$0x3] =	sbarrier.arrive $0xFFFF  }
0x8e: {  	_ =	shalt  }

</sc_bundles>
